<compile_context>
chip_gen: v7x
topology: tpu7x:2x2x1
jax: 0.10.2.dev20260603
libtpu: 0.0.44.dev20260713+nightly
codegen_flags: <defaults>
</compile_context>

<pallas_src>
import functools

import jax
import jax.numpy as jnp
from jax import lax
from jax.experimental import pallas as pl
from jax.experimental.pallas import tpu as pltpu
from jax.experimental.pallas import tpu_sc as plsc

N = 10000
D = 256
HALF = 128
E = 160000
NUM_GRAPHS = 16
LAYERS = 3

NC = 2
NS = 16
CHUNK = 104
CH = 98
EPT = CH * CHUNK
E_PAD = NS * CH * CHUNK
SLAB = 624
TAIL_OFF = NS * SLAB
TAIL = N - TAIL_OFF
ACC_ROWS = N + 8


def _chain_body(x_hbm, dst_hbm, src_hbm, x1_hbm, x2_hbm, out_hbm, dst_v,
                src_v, rows_a, rows_b, acc_sh, sem_ga, sem_gb, sem_sa,
                sem_sb):
    c = lax.axis_index("c")
    s = lax.axis_index("s")
    base = s * SLAB
    w = c * NS + s

    pltpu.sync_copy(x_hbm.at[pl.ds(c * N + base, SLAB)],
                    acc_sh.at[pl.ds(base, SLAB)])

    @pl.when(s == NS - 1)
    def _():
        pltpu.sync_copy(x_hbm.at[pl.ds(c * N + TAIL_OFF, TAIL)],
                        acc_sh.at[pl.ds(TAIL_OFF, TAIL)])

    pltpu.sync_copy(dst_hbm.at[pl.ds(w * EPT, EPT)], dst_v)
    pltpu.sync_copy(src_hbm.at[s], src_v)

    def run_layer(src_x):
        def gather(j, buf, sem):
            return pltpu.async_copy(
                src_x.at[dst_v.at[pl.ds(j * CHUNK, CHUNK)]], buf, sem)

        def scat(j, buf, sem):
            return pltpu.async_copy(buf, acc_sh.at[src_v.at[j]], sem,
                                    add=True)

        def wait_g(j, buf, sem):
            pltpu.make_async_copy(
                src_x.at[dst_v.at[pl.ds(j * CHUNK, CHUNK)]], buf, sem).wait()

        def wait_s(j, buf, sem):
            pltpu.make_async_copy(buf, acc_sh.at[src_v.at[j]], sem).wait()

        gather(0, rows_a, sem_ga)
        gather(1, rows_b, sem_gb)

        def body(i, carry):
            j0 = 2 * i
            j1 = j0 + 1
            wait_g(j0, rows_a, sem_ga)
            scat(j0, rows_a, sem_sa)
            wait_s(j0, rows_a, sem_sa)

            @pl.when(j0 + 2 < CH)
            def _():
                gather(j0 + 2, rows_a, sem_ga)

            wait_g(j1, rows_b, sem_gb)
            scat(j1, rows_b, sem_sb)
            wait_s(j1, rows_b, sem_sb)

            @pl.when(j1 + 2 < CH)
            def _():
                gather(j1 + 2, rows_b, sem_gb)

            return carry

        lax.fori_loop(0, CH // 2, body, 0)

    def writeback(dst_x):
        pltpu.sync_copy(acc_sh.at[pl.ds(base, SLAB)],
                        dst_x.at[pl.ds(c * N + base, SLAB)])

        @pl.when(s == NS - 1)
        def _():
            pltpu.sync_copy(acc_sh.at[pl.ds(TAIL_OFF, TAIL)],
                            dst_x.at[pl.ds(c * N + TAIL_OFF, TAIL)])

    plsc.subcore_barrier()
    run_layer(x_hbm)
    plsc.subcore_barrier()
    writeback(x1_hbm)
    plsc.subcore_barrier()
    run_layer(x1_hbm)
    plsc.subcore_barrier()
    writeback(x2_hbm)
    plsc.subcore_barrier()
    run_layer(x2_hbm)
    plsc.subcore_barrier()
    writeback(out_hbm)


@functools.lru_cache(maxsize=1)
def _make_chain():
    mesh = plsc.VectorSubcoreMesh(core_axis_name="c", subcore_axis_name="s",
                                  num_cores=NC, num_subcores=NS)
    return pl.kernel(
        _chain_body,
        out_type=[
            jax.ShapeDtypeStruct((NC * N, HALF), jnp.float32),
            jax.ShapeDtypeStruct((NC * N, HALF), jnp.float32),
            jax.ShapeDtypeStruct((NC * N, HALF), jnp.float32),
        ],
        mesh=mesh,
        scratch_types=[
            pltpu.VMEM((EPT,), jnp.int32),
            pltpu.VMEM((CH, CHUNK), jnp.int32),
            pltpu.VMEM((CHUNK, HALF), jnp.float32),
            pltpu.VMEM((CHUNK, HALF), jnp.float32),
            pltpu.VMEM_SHARED((ACC_ROWS, HALF), jnp.float32),
            pltpu.SemaphoreType.DMA,
            pltpu.SemaphoreType.DMA,
            pltpu.SemaphoreType.DMA,
            pltpu.SemaphoreType.DMA,
        ],
    )


MB = 1000
GRID = N // MB


def _fw_merge_body(xf0, xf1, w4, b, part_ref):
    part_ref[...] = (
        jnp.dot(xf0[...], w4[0], preferred_element_type=jnp.float32)
        + jnp.dot(xf1[...], w4[1], preferred_element_type=jnp.float32)
        + b[...])


def _fw_merge_call(xf, w4, b):
    return pl.pallas_call(
        _fw_merge_body,
        grid=(GRID,),
        in_specs=[
            pl.BlockSpec((MB, HALF), lambda i: (i, 0)),
            pl.BlockSpec((MB, HALF), lambda i: (i + GRID, 0)),
            pl.BlockSpec((4, HALF, D), lambda i: (0, 0, 0)),
            pl.BlockSpec((1, D), lambda i: (0, 0)),
        ],
        out_specs=pl.BlockSpec((MB, D), lambda i: (i, 0)),
        out_shape=jax.ShapeDtypeStruct((N, D), jnp.float32),
        compiler_params=pltpu.CompilerParams(
            dimension_semantics=("arbitrary",)),
    )(xf, xf, w4, b)


def _merge_body(part, xb0, xb1, w4, bat, g_ref, out_ref):
    i = pl.program_id(0)
    ho = (part[...]
          + jnp.dot(xb0[...], w4[2], preferred_element_type=jnp.float32)
          + jnp.dot(xb1[...], w4[3], preferred_element_type=jnp.float32))
    out_ref[...] = ho

    @pl.when(i == 0)
    def _():
        g_ref[...] = jnp.full((NUM_GRAPHS, D), -jnp.inf, jnp.float32)

    batv = bat[...]
    for g in range(NUM_GRAPHS):
        m = jnp.where(batv == g, ho, -jnp.inf)
        part = jnp.max(m, axis=0, keepdims=True)
        g_ref[g:g + 1, :] = jnp.maximum(g_ref[g:g + 1, :], part)


def _merge_call(part, xb, w4, batb):
    return pl.pallas_call(
        _merge_body,
        grid=(GRID,),
        in_specs=[
            pl.BlockSpec((MB, D), lambda i: (i, 0)),
            pl.BlockSpec((MB, HALF), lambda i: (i, 0)),
            pl.BlockSpec((MB, HALF), lambda i: (i + GRID, 0)),
            pl.BlockSpec((4, HALF, D), lambda i: (0, 0, 0)),
            pl.BlockSpec((MB, D), lambda i: (i, 0)),
        ],
        out_specs=[
            pl.BlockSpec((NUM_GRAPHS, D), lambda i: (0, 0)),
            pl.BlockSpec((MB, D), lambda i: (i, 0)),
        ],
        out_shape=[
            jax.ShapeDtypeStruct((NUM_GRAPHS, D), jnp.float32),
            jax.ShapeDtypeStruct((N, D), jnp.float32),
        ],
        compiler_params=pltpu.CompilerParams(
            dimension_semantics=("arbitrary",)),
    )(part, xb, xb, w4, batb)


def _prep_edges(ei):
    src = ei[0]
    dst = ei[1]
    pad = E_PAD - E
    dstp = jnp.concatenate([dst, jnp.zeros((pad,), jnp.int32)])
    srcp = jnp.concatenate([src, jnp.full((pad,), N, jnp.int32)])
    dst2 = jnp.stack([dstp, dstp + N]).reshape(2 * NS * EPT)
    src2 = srcp.reshape(NS, CH, CHUNK)
    return dst2, src2


def kernel(h, fw_edge_index, bw_edge_index, batch, W_merge, b_merge):
    chain = _make_chain()
    x0 = h.reshape(N, 2, HALF).transpose(1, 0, 2).reshape(2 * N, HALF)
    fw_dst, fw_src = _prep_edges(fw_edge_index)
    bw_dst, bw_src = _prep_edges(bw_edge_index)
    w4 = W_merge.reshape(D, 4, HALF).transpose(1, 2, 0)
    batb = jnp.broadcast_to(batch[:, None], (N, D))
    xf = chain(x0, fw_dst, fw_src)[2]
    part = _fw_merge_call(xf, w4, b_merge.reshape(1, D))
    xb = chain(x0, bw_dst, bw_src)[2]
    g_h, h_out = _merge_call(part, xb, w4, batb)
    return (g_h, h_out)

# --- scband reference (transcript-rebuilt; emitter-appended) ---
"""Pipeline reference for scband-graph-encoder-17575006175785 (READ-ONLY COPY).

The authoritative reference and input builder live on the scoring server;
editing this copy changes nothing except your own understanding.
"""

import jax, jax.numpy as jnp
import numpy as np

EMB_DIM = 256
LAYERS = 3
N = 10000
E = 160000
NUM_GRAPHS = 16


def setup_inputs(seed: int = 0) -> dict:
    key = jax.random.key(seed)
    k1, k2, k3, k4, k5, k6 = jax.random.split(key, 6)
    h = jax.random.normal(k1, (N, EMB_DIM), dtype=jnp.float32)
    fw_edge_index = jax.random.randint(k2, (2, E), 0, N, dtype=jnp.int32)
    bw_edge_index = jax.random.randint(k3, (2, E), 0, N, dtype=jnp.int32)
    batch = jnp.sort(jax.random.randint(k4, (N,), 0, NUM_GRAPHS, dtype=jnp.int32))
    # ln_edge_merge: Linear(2*emb_dim, emb_dim), torch weight shape [out, in]
    W_merge = jax.random.normal(k5, (EMB_DIM, 2 * EMB_DIM), dtype=jnp.float32) * (1.0 / np.sqrt(2 * EMB_DIM))
    b_merge = jnp.zeros((EMB_DIM,), dtype=jnp.float32)
    return {"h": h, "fw_edge_index": fw_edge_index, "bw_edge_index": bw_edge_index, "batch": batch, "W_merge": W_merge, "b_merge": b_merge}


def _mpnn_layer(x, edge_index, n_nodes):
    # flow='target_to_source': i = edge_index[0] (aggregation index), j = edge_index[1] (message source)
    src = edge_index[0]
    dst = edge_index[1]
    msg = x[dst]
    aggr = jax.ops.segment_sum(msg, src, num_segments=n_nodes)
    # update(): h + aggr_out (early return in original code; ln_merge/ln_pool are dead code)
    return x + aggr


def reference(h, fw_edge_index, bw_edge_index, batch, W_merge, b_merge):
    n_nodes = h.shape[0]
    fw_h = h
    for _ in range(LAYERS):
        fw_h = _mpnn_layer(fw_h, fw_edge_index, n_nodes)
    bw_h = h
    for _ in range(LAYERS):
        bw_h = _mpnn_layer(bw_h, bw_edge_index, n_nodes)
    hc = jnp.concatenate([fw_h, bw_h], axis=-1)
    h_out = hc @ W_merge.T + b_merge
    g_h = jax.ops.segment_max(h_out, batch, num_segments=NUM_GRAPHS)
    return (g_h, h_out)

if __name__ == "__main__":
    import jax
    _d = setup_inputs()
    print(jax.jit(kernel)(*tuple(_d.values())))

</pallas_src>

<mosaic_0001>
#map = affine_map<(d0, d1) -> (0, 0)>
#map1 = affine_map<(d0, d1) -> (0)>
#map2 = affine_map<(d0, d1) -> (0, 0, 0)>
module attributes {stable_mosaic.version = 14 : i64} {
  func.func @_chain_body(%arg0: i32, %arg1: i32, %arg2: memref<20000x128xf32, #tpu.memory_space<hbm>>, %arg3: memref<326144xi32, #tpu.memory_space<hbm>>, %arg4: memref<16x98x104xi32, #tpu.memory_space<hbm>>, %arg5: memref<20000x128xf32, #tpu.memory_space<hbm>>, %arg6: memref<20000x128xf32, #tpu.memory_space<hbm>>, %arg7: memref<20000x128xf32, #tpu.memory_space<hbm>>, %arg8: memref<10192xi32, #tpu.memory_space<vmem>>, %arg9: memref<98x104xi32, #tpu.memory_space<vmem>>, %arg10: memref<104x128xf32, #tpu.memory_space<vmem>>, %arg11: memref<104x128xf32, #tpu.memory_space<vmem>>, %arg12: memref<10008x128xf32, #tpu.memory_space<vmem_shared>>, %arg13: memref<!tpu.dma_semaphore, #tpu.memory_space<semaphore_mem>>, %arg14: memref<!tpu.dma_semaphore, #tpu.memory_space<semaphore_mem>>, %arg15: memref<!tpu.dma_semaphore, #tpu.memory_space<semaphore_mem>>, %arg16: memref<!tpu.dma_semaphore, #tpu.memory_space<semaphore_mem>>) attributes {dimension_semantics = [#tpu.dimension_semantics<core_parallel>, #tpu.dimension_semantics<subcore_parallel>], iteration_bounds = array<i64: 2, 16>, scalar_prefetch = 0 : i64, scratch_operands = 9 : i64, tpu.core_type = #tpu.core_type<sc_vector_subcore>, window_params = [{transform_indices = #map}, {transform_indices = #map1}, {transform_indices = #map2}, {transform_indices = #map}, {transform_indices = #map}, {transform_indices = #map}]} {
    %mul3A = arith.constant 624 : i32
    %mul3A_0 = arith.muli %arg1, %mul3A : i32
    %mul3A_1 = arith.constant 16 : i32
    %mul3A_2 = arith.muli %arg0, %mul3A_1 : i32
    %add3A = arith.addi %mul3A_2, %arg1 : i32
    %mul3A_3 = arith.constant 10000 : i32
    %mul3A_4 = arith.muli %arg0, %mul3A_3 : i32
    %add3A_5 = arith.addi %mul3A_4, %mul3A_0 : i32
    "tpu.region"() ({
      %run_scoped3A = tpu.sem_alloc : memref<!tpu.dma_semaphore, #tpu.memory_space<semaphore_mem>>
      %dma_start3A_85 = arith.constant 0 : i32
      %dma_start3A_86 = tpu.memref_slice %arg12[%mul3A_0, %dma_start3A_85] : memref<10008x128xf32, #tpu.memory_space<vmem_shared>> -> memref<624x128xf32, #tpu.memory_space<vmem_shared>>
      %dma_start3A_87 = arith.constant 0 : i32
      %dma_start3A_88 = tpu.memref_slice %arg2[%add3A_5, %dma_start3A_87] : memref<20000x128xf32, #tpu.memory_space<hbm>> -> memref<624x128xf32, #tpu.memory_space<hbm>>
      tpu.enqueue_dma source(%dma_start3A_88 : memref<624x128xf32, #tpu.memory_space<hbm>>) target(%dma_start3A_86 : memref<624x128xf32, #tpu.memory_space<vmem_shared>>) target_semaphore(%run_scoped3A : memref<!tpu.dma_semaphore, #tpu.memory_space<semaphore_mem>>)
      %dma_wait3A = arith.constant 0 : i32
      %dma_wait3A_89 = tpu.memref_slice %arg12[%mul3A_0, %dma_wait3A] : memref<10008x128xf32, #tpu.memory_space<vmem_shared>> -> memref<624x128xf32, #tpu.memory_space<vmem_shared>>
      %dma_wait3A_90 = arith.constant 0 : i32
      %dma_wait3A_91 = tpu.memref_slice %arg2[%add3A_5, %dma_wait3A_90] : memref<20000x128xf32, #tpu.memory_space<hbm>> -> memref<624x128xf32, #tpu.memory_space<hbm>>
      tpu.wait_dma2 semaphore(%run_scoped3A : memref<!tpu.dma_semaphore, #tpu.memory_space<semaphore_mem>>) src(%dma_wait3A_91 : memref<624x128xf32, #tpu.memory_space<hbm>>) dst(%dma_wait3A_89 : memref<624x128xf32, #tpu.memory_space<vmem_shared>>)
      tpu.yield
    }) : () -> ()
    %eq3A = arith.constant 15 : i32
    %eq3A_6 = arith.cmpi eq, %arg1, %eq3A : i32
    %convert_element_type3A = arith.extui %eq3A_6 : i1 to i32
    %cond3A = arith.constant 0 : i32
    %cond3A_7 = arith.cmpi ne, %convert_element_type3A, %cond3A : i32
    scf.if %cond3A_7 {
      %mul3A_85 = arith.constant 10000 : i32
      %mul3A_86 = arith.muli %arg0, %mul3A_85 : i32
      %add3A_87 = arith.constant 9984 : i32
      %add3A_88 = arith.addi %mul3A_86, %add3A_87 : i32
      "tpu.region"() ({
        %run_scoped3A = tpu.sem_alloc : memref<!tpu.dma_semaphore, #tpu.memory_space<semaphore_mem>>
        %dma_start3A_89 = arith.constant 9984 : i32
        %dma_start3A_90 = arith.constant 0 : i32
        %dma_start3A_91 = tpu.memref_slice %arg12[%dma_start3A_89, %dma_start3A_90] : memref<10008x128xf32, #tpu.memory_space<vmem_shared>> -> memref<16x128xf32, #tpu.memory_space<vmem_shared>>
        %dma_start3A_92 = arith.constant 0 : i32
        %dma_start3A_93 = tpu.memref_slice %arg2[%add3A_88, %dma_start3A_92] : memref<20000x128xf32, #tpu.memory_space<hbm>> -> memref<16x128xf32, #tpu.memory_space<hbm>>
        tpu.enqueue_dma source(%dma_start3A_93 : memref<16x128xf32, #tpu.memory_space<hbm>>) target(%dma_start3A_91 : memref<16x128xf32, #tpu.memory_space<vmem_shared>>) target_semaphore(%run_scoped3A : memref<!tpu.dma_semaphore, #tpu.memory_space<semaphore_mem>>)
        %dma_wait3A = arith.constant 9984 : i32
        %dma_wait3A_94 = arith.constant 0 : i32
        %dma_wait3A_95 = tpu.memref_slice %arg12[%dma_wait3A, %dma_wait3A_94] : memref<10008x128xf32, #tpu.memory_space<vmem_shared>> -> memref<16x128xf32, #tpu.memory_space<vmem_shared>>
        %dma_wait3A_96 = arith.constant 0 : i32
        %dma_wait3A_97 = tpu.memref_slice %arg2[%add3A_88, %dma_wait3A_96] : memref<20000x128xf32, #tpu.memory_space<hbm>> -> memref<16x128xf32, #tpu.memory_space<hbm>>
        tpu.wait_dma2 semaphore(%run_scoped3A : memref<!tpu.dma_semaphore, #tpu.memory_space<semaphore_mem>>) src(%dma_wait3A_97 : memref<16x128xf32, #tpu.memory_space<hbm>>) dst(%dma_wait3A_95 : memref<16x128xf32, #tpu.memory_space<vmem_shared>>)
        tpu.yield
      }) : () -> ()
    } else {
    }
    %mul3A_8 = arith.constant 10192 : i32
    %mul3A_9 = arith.muli %add3A, %mul3A_8 : i32
    "tpu.region"() ({
      %run_scoped3A = tpu.sem_alloc : memref<!tpu.dma_semaphore, #tpu.memory_space<semaphore_mem>>
      %dma_start3A_85 = tpu.memref_slice %arg3[%mul3A_9] : memref<326144xi32, #tpu.memory_space<hbm>> -> memref<10192xi32, #tpu.memory_space<hbm>>
      %dma_start3A_86 = tpu.memref_slice %arg3[%mul3A_9] : memref<326144xi32, #tpu.memory_space<hbm>> -> memref<10192xi32, #tpu.memory_space<hbm>>
      tpu.enqueue_dma source(%dma_start3A_86 : memref<10192xi32, #tpu.memory_space<hbm>>) target(%arg8 : memref<10192xi32, #tpu.memory_space<vmem>>) target_semaphore(%run_scoped3A : memref<!tpu.dma_semaphore, #tpu.memory_space<semaphore_mem>>)
      %dma_wait3A = tpu.memref_slice %arg3[%mul3A_9] : memref<326144xi32, #tpu.memory_space<hbm>> -> memref<10192xi32, #tpu.memory_space<hbm>>
      %dma_wait3A_87 = tpu.memref_slice %arg3[%mul3A_9] : memref<326144xi32, #tpu.memory_space<hbm>> -> memref<10192xi32, #tpu.memory_space<hbm>>
      tpu.wait_dma2 semaphore(%run_scoped3A : memref<!tpu.dma_semaphore, #tpu.memory_space<semaphore_mem>>) src(%dma_wait3A_87 : memref<10192xi32, #tpu.memory_space<hbm>>) dst(%arg8 : memref<10192xi32, #tpu.memory_space<vmem>>)
      tpu.yield
    }) : () -> ()
    "tpu.region"() ({
      %run_scoped3A = tpu.sem_alloc : memref<!tpu.dma_semaphore, #tpu.memory_space<semaphore_mem>>
      %dma_start3A_85 = arith.constant 0 : i32
      %dma_start3A_86 = arith.constant 0 : i32
      %dma_start3A_87 = tpu.memref_slice %arg4[%arg1, %dma_start3A_85, %dma_start3A_86] : memref<16x98x104xi32, #tpu.memory_space<hbm>> -> memref<1x98x104xi32, #tpu.memory_space<hbm>>
      %dma_start3A_88 = tpu.memref_squeeze %dma_start3A_87 : memref<1x98x104xi32, #tpu.memory_space<hbm>> -> memref<98x104xi32, #tpu.memory_space<hbm>>
      %dma_start3A_89 = arith.constant 0 : i32
      %dma_start3A_90 = arith.constant 0 : i32
      %dma_start3A_91 = tpu.memref_slice %arg4[%arg1, %dma_start3A_89, %dma_start3A_90] : memref<16x98x104xi32, #tpu.memory_space<hbm>> -> memref<1x98x104xi32, #tpu.memory_space<hbm>>
      %dma_start3A_92 = tpu.memref_squeeze %dma_start3A_91 : memref<1x98x104xi32, #tpu.memory_space<hbm>> -> memref<98x104xi32, #tpu.memory_space<hbm>>
      tpu.enqueue_dma source(%dma_start3A_92 : memref<98x104xi32, #tpu.memory_space<hbm>>) target(%arg9 : memref<98x104xi32, #tpu.memory_space<vmem>>) target_semaphore(%run_scoped3A : memref<!tpu.dma_semaphore, #tpu.memory_space<semaphore_mem>>)
      %dma_wait3A = arith.constant 0 : i32
      %dma_wait3A_93 = arith.constant 0 : i32
      %dma_wait3A_94 = tpu.memref_slice %arg4[%arg1, %dma_wait3A, %dma_wait3A_93] : memref<16x98x104xi32, #tpu.memory_space<hbm>> -> memref<1x98x104xi32, #tpu.memory_space<hbm>>
      %dma_wait3A_95 = tpu.memref_squeeze %dma_wait3A_94 : memref<1x98x104xi32, #tpu.memory_space<hbm>> -> memref<98x104xi32, #tpu.memory_space<hbm>>
      %dma_wait3A_96 = arith.constant 0 : i32
      %dma_wait3A_97 = arith.constant 0 : i32
      %dma_wait3A_98 = tpu.memref_slice %arg4[%arg1, %dma_wait3A_96, %dma_wait3A_97] : memref<16x98x104xi32, #tpu.memory_space<hbm>> -> memref<1x98x104xi32, #tpu.memory_space<hbm>>
      %dma_wait3A_99 = tpu.memref_squeeze %dma_wait3A_98 : memref<1x98x104xi32, #tpu.memory_space<hbm>> -> memref<98x104xi32, #tpu.memory_space<hbm>>
      tpu.wait_dma2 semaphore(%run_scoped3A : memref<!tpu.dma_semaphore, #tpu.memory_space<semaphore_mem>>) src(%dma_wait3A_99 : memref<98x104xi32, #tpu.memory_space<hbm>>) dst(%arg9 : memref<98x104xi32, #tpu.memory_space<vmem>>)
      tpu.yield
    }) : () -> ()
    %barrier3A = arith.constant 0 : index
    tpu.barrier barrier_id(%barrier3A)
    %dma_start3A = arith.constant 0 : i32
    %dma_start3A_10 = tpu.memref_slice %arg8[%dma_start3A] : memref<10192xi32, #tpu.memory_space<vmem>> -> memref<104xi32, #tpu.memory_space<vmem>>
    %dma_start3A_11 = arith.constant 0 : i32
    %dma_start3A_12 = arith.constant 0 : i32
    %dma_start3A_13 = tpu.memref_slice %arg2[%dma_start3A_11, %dma_start3A_12] : memref<20000x128xf32, #tpu.memory_space<hbm>> -> memref<20000x128xf32, #tpu.memory_space<hbm>>
    tpu.enqueue_indirect_dma source(%dma_start3A_13 : memref<20000x128xf32, #tpu.memory_space<hbm>>) target(%arg10 : memref<104x128xf32, #tpu.memory_space<vmem>>) offsets(%dma_start3A_10 : memref<104xi32, #tpu.memory_space<vmem>>) semaphore(%arg13 : memref<!tpu.dma_semaphore, #tpu.memory_space<semaphore_mem>>)
    %dma_start3A_14 = arith.constant 104 : i32
    %dma_start3A_15 = tpu.memref_slice %arg8[%dma_start3A_14] : memref<10192xi32, #tpu.memory_space<vmem>> -> memref<104xi32, #tpu.memory_space<vmem>>
    %dma_start3A_16 = arith.constant 0 : i32
    %dma_start3A_17 = arith.constant 0 : i32
    %dma_start3A_18 = tpu.memref_slice %arg2[%dma_start3A_16, %dma_start3A_17] : memref<20000x128xf32, #tpu.memory_space<hbm>> -> memref<20000x128xf32, #tpu.memory_space<hbm>>
    tpu.enqueue_indirect_dma source(%dma_start3A_18 : memref<20000x128xf32, #tpu.memory_space<hbm>>) target(%arg11 : memref<104x128xf32, #tpu.memory_space<vmem>>) offsets(%dma_start3A_15 : memref<104xi32, #tpu.memory_space<vmem>>) semaphore(%arg14 : memref<!tpu.dma_semaphore, #tpu.memory_space<semaphore_mem>>)
    %scan3A = arith.constant 0 : i32
    %scan3A_19 = arith.constant 0 : i32
    %scan3A_20 = arith.constant 49 : i32
    %scan3A_21 = arith.addi %scan3A_19, %scan3A_20 : i32
    %scan3A_22 = arith.constant 1 : i32
    scf.for %scan3A_85 = %scan3A_19 to %scan3A_21 step %scan3A_22  : i32 {
      %mul3A_86 = arith.constant 2 : i32
      %mul3A_87 = arith.muli %mul3A_86, %scan3A_85 : i32
      %add3A_88 = arith.constant 1 : i32
      %add3A_89 = arith.addi %mul3A_87, %add3A_88 : i32
      %mul3A_90 = arith.constant 104 : i32
      %mul3A_91 = arith.muli %mul3A_87, %mul3A_90 : i32
      %dma_wait3A = tpu.memref_slice %arg8[%mul3A_91] : memref<10192xi32, #tpu.memory_space<vmem>> -> memref<104xi32, #tpu.memory_space<vmem>>
      %dma_wait3A_92 = arith.constant 0 : i32
      %dma_wait3A_93 = arith.constant 0 : i32
      %dma_wait3A_94 = tpu.memref_slice %arg2[%dma_wait3A_92, %dma_wait3A_93] : memref<20000x128xf32, #tpu.memory_space<hbm>> -> memref<20000x128xf32, #tpu.memory_space<hbm>>
      tpu.wait_indirect_dma semaphore(%arg13 : memref<!tpu.dma_semaphore, #tpu.memory_space<semaphore_mem>>) src(%dma_wait3A_94 : memref<20000x128xf32, #tpu.memory_space<hbm>>) dst(%arg10 : memref<104x128xf32, #tpu.memory_space<vmem>>)
      %dma_start3A_95 = arith.constant 0 : i32
      %dma_start3A_96 = tpu.memref_slice %arg9[%mul3A_87, %dma_start3A_95] : memref<98x104xi32, #tpu.memory_space<vmem>> -> memref<1x104xi32, #tpu.memory_space<vmem>>
      %dma_start3A_97 = tpu.memref_squeeze %dma_start3A_96 : memref<1x104xi32, #tpu.memory_space<vmem>> -> memref<104xi32, #tpu.memory_space<vmem>>
      %dma_start3A_98 = arith.constant 0 : i32
      %dma_start3A_99 = arith.constant 0 : i32
      %dma_start3A_100 = tpu.memref_slice %arg12[%dma_start3A_98, %dma_start3A_99] : memref<10008x128xf32, #tpu.memory_space<vmem_shared>> -> memref<10008x128xf32, #tpu.memory_space<vmem_shared>>
      tpu.enqueue_indirect_dma source(%arg10 : memref<104x128xf32, #tpu.memory_space<vmem>>) target(%dma_start3A_100 : memref<10008x128xf32, #tpu.memory_space<vmem_shared>>) offsets(%dma_start3A_97 : memref<104xi32, #tpu.memory_space<vmem>>) semaphore(%arg15 : memref<!tpu.dma_semaphore, #tpu.memory_space<semaphore_mem>>) {add = true}
      %dma_wait3A_101 = arith.constant 0 : i32
      %dma_wait3A_102 = tpu.memref_slice %arg9[%mul3A_87, %dma_wait3A_101] : memref<98x104xi32, #tpu.memory_space<vmem>> -> memref<1x104xi32, #tpu.memory_space<vmem>>
      %dma_wait3A_103 = tpu.memref_squeeze %dma_wait3A_102 : memref<1x104xi32, #tpu.memory_space<vmem>> -> memref<104xi32, #tpu.memory_space<vmem>>
      %dma_wait3A_104 = arith.constant 0 : i32
      %dma_wait3A_105 = arith.constant 0 : i32
      %dma_wait3A_106 = tpu.memref_slice %arg12[%dma_wait3A_104, %dma_wait3A_105] : memref<10008x128xf32, #tpu.memory_space<vmem_shared>> -> memref<10008x128xf32, #tpu.memory_space<vmem_shared>>
      tpu.wait_indirect_dma semaphore(%arg15 : memref<!tpu.dma_semaphore, #tpu.memory_space<semaphore_mem>>) src(%arg10 : memref<104x128xf32, #tpu.memory_space<vmem>>) dst(%dma_wait3A_106 : memref<10008x128xf32, #tpu.memory_space<vmem_shared>>)
      %add3A_107 = arith.constant 2 : i32
      %add3A_108 = arith.addi %mul3A_87, %add3A_107 : i32
      %lt3A = arith.constant 98 : i32
      %lt3A_109 = arith.cmpi slt, %add3A_108, %lt3A : i32
      %convert_element_type3A_110 = arith.extui %lt3A_109 : i1 to i32
      %cond3A_111 = arith.constant 0 : i32
      %cond3A_112 = arith.cmpi ne, %convert_element_type3A_110, %cond3A_111 : i32
      scf.if %cond3A_112 {
        %add3A_138 = arith.constant 2 : i32
        %add3A_139 = arith.addi %mul3A_87, %add3A_138 : i32
        %mul3A_140 = arith.constant 104 : i32
        %mul3A_141 = arith.muli %add3A_139, %mul3A_140 : i32
        %dma_start3A_142 = tpu.memref_slice %arg8[%mul3A_141] : memref<10192xi32, #tpu.memory_space<vmem>> -> memref<104xi32, #tpu.memory_space<vmem>>
        %dma_start3A_143 = arith.constant 0 : i32
        %dma_start3A_144 = arith.constant 0 : i32
        %dma_start3A_145 = tpu.memref_slice %arg2[%dma_start3A_143, %dma_start3A_144] : memref<20000x128xf32, #tpu.memory_space<hbm>> -> memref<20000x128xf32, #tpu.memory_space<hbm>>
        tpu.enqueue_indirect_dma source(%dma_start3A_145 : memref<20000x128xf32, #tpu.memory_space<hbm>>) target(%arg10 : memref<104x128xf32, #tpu.memory_space<vmem>>) offsets(%dma_start3A_142 : memref<104xi32, #tpu.memory_space<vmem>>) semaphore(%arg13 : memref<!tpu.dma_semaphore, #tpu.memory_space<semaphore_mem>>)
      } else {
      }
      %mul3A_113 = arith.constant 104 : i32
      %mul3A_114 = arith.muli %add3A_89, %mul3A_113 : i32
      %dma_wait3A_115 = tpu.memref_slice %arg8[%mul3A_114] : memref<10192xi32, #tpu.memory_space<vmem>> -> memref<104xi32, #tpu.memory_space<vmem>>
      %dma_wait3A_116 = arith.constant 0 : i32
      %dma_wait3A_117 = arith.constant 0 : i32
      %dma_wait3A_118 = tpu.memref_slice %arg2[%dma_wait3A_116, %dma_wait3A_117] : memref<20000x128xf32, #tpu.memory_space<hbm>> -> memref<20000x128xf32, #tpu.memory_space<hbm>>
      tpu.wait_indirect_dma semaphore(%arg14 : memref<!tpu.dma_semaphore, #tpu.memory_space<semaphore_mem>>) src(%dma_wait3A_118 : memref<20000x128xf32, #tpu.memory_space<hbm>>) dst(%arg11 : memref<104x128xf32, #tpu.memory_space<vmem>>)
      %dma_start3A_119 = arith.constant 0 : i32
      %dma_start3A_120 = tpu.memref_slice %arg9[%add3A_89, %dma_start3A_119] : memref<98x104xi32, #tpu.memory_space<vmem>> -> memref<1x104xi32, #tpu.memory_space<vmem>>
      %dma_start3A_121 = tpu.memref_squeeze %dma_start3A_120 : memref<1x104xi32, #tpu.memory_space<vmem>> -> memref<104xi32, #tpu.memory_space<vmem>>
      %dma_start3A_122 = arith.constant 0 : i32
      %dma_start3A_123 = arith.constant 0 : i32
      %dma_start3A_124 = tpu.memref_slice %arg12[%dma_start3A_122, %dma_start3A_123] : memref<10008x128xf32, #tpu.memory_space<vmem_shared>> -> memref<10008x128xf32, #tpu.memory_space<vmem_shared>>
      tpu.enqueue_indirect_dma source(%arg11 : memref<104x128xf32, #tpu.memory_space<vmem>>) target(%dma_start3A_124 : memref<10008x128xf32, #tpu.memory_space<vmem_shared>>) offsets(%dma_start3A_121 : memref<104xi32, #tpu.memory_space<vmem>>) semaphore(%arg16 : memref<!tpu.dma_semaphore, #tpu.memory_space<semaphore_mem>>) {add = true}
      %dma_wait3A_125 = arith.constant 0 : i32
      %dma_wait3A_126 = tpu.memref_slice %arg9[%add3A_89, %dma_wait3A_125] : memref<98x104xi32, #tpu.memory_space<vmem>> -> memref<1x104xi32, #tpu.memory_space<vmem>>
      %dma_wait3A_127 = tpu.memref_squeeze %dma_wait3A_126 : memref<1x104xi32, #tpu.memory_space<vmem>> -> memref<104xi32, #tpu.memory_space<vmem>>
      %dma_wait3A_128 = arith.constant 0 : i32
      %dma_wait3A_129 = arith.constant 0 : i32
      %dma_wait3A_130 = tpu.memref_slice %arg12[%dma_wait3A_128, %dma_wait3A_129] : memref<10008x128xf32, #tpu.memory_space<vmem_shared>> -> memref<10008x128xf32, #tpu.memory_space<vmem_shared>>
      tpu.wait_indirect_dma semaphore(%arg16 : memref<!tpu.dma_semaphore, #tpu.memory_space<semaphore_mem>>) src(%arg11 : memref<104x128xf32, #tpu.memory_space<vmem>>) dst(%dma_wait3A_130 : memref<10008x128xf32, #tpu.memory_space<vmem_shared>>)
      %add3A_131 = arith.constant 2 : i32
      %add3A_132 = arith.addi %add3A_89, %add3A_131 : i32
      %lt3A_133 = arith.constant 98 : i32
      %lt3A_134 = arith.cmpi slt, %add3A_132, %lt3A_133 : i32
      %convert_element_type3A_135 = arith.extui %lt3A_134 : i1 to i32
      %cond3A_136 = arith.constant 0 : i32
      %cond3A_137 = arith.cmpi ne, %convert_element_type3A_135, %cond3A_136 : i32
      scf.if %cond3A_137 {
        %add3A_138 = arith.constant 2 : i32
        %add3A_139 = arith.addi %add3A_89, %add3A_138 : i32
        %mul3A_140 = arith.constant 104 : i32
        %mul3A_141 = arith.muli %add3A_139, %mul3A_140 : i32
        %dma_start3A_142 = tpu.memref_slice %arg8[%mul3A_141] : memref<10192xi32, #tpu.memory_space<vmem>> -> memref<104xi32, #tpu.memory_space<vmem>>
        %dma_start3A_143 = arith.constant 0 : i32
        %dma_start3A_144 = arith.constant 0 : i32
        %dma_start3A_145 = tpu.memref_slice %arg2[%dma_start3A_143, %dma_start3A_144] : memref<20000x128xf32, #tpu.memory_space<hbm>> -> memref<20000x128xf32, #tpu.memory_space<hbm>>
        tpu.enqueue_indirect_dma source(%dma_start3A_145 : memref<20000x128xf32, #tpu.memory_space<hbm>>) target(%arg11 : memref<104x128xf32, #tpu.memory_space<vmem>>) offsets(%dma_start3A_142 : memref<104xi32, #tpu.memory_space<vmem>>) semaphore(%arg14 : memref<!tpu.dma_semaphore, #tpu.memory_space<semaphore_mem>>)
      } else {
      }
    }
    %scan3A_23 = arith.constant 49 : i32
    %barrier3A_24 = arith.constant 0 : index
    tpu.barrier barrier_id(%barrier3A_24)
    %mul3A_25 = arith.constant 10000 : i32
    %mul3A_26 = arith.muli %arg0, %mul3A_25 : i32
    %add3A_27 = arith.addi %mul3A_26, %mul3A_0 : i32
    "tpu.region"() ({
      %run_scoped3A = tpu.sem_alloc : memref<!tpu.dma_semaphore, #tpu.memory_space<semaphore_mem>>
      %dma_start3A_85 = arith.constant 0 : i32
      %dma_start3A_86 = tpu.memref_slice %arg5[%add3A_27, %dma_start3A_85] : memref<20000x128xf32, #tpu.memory_space<hbm>> -> memref<624x128xf32, #tpu.memory_space<hbm>>
      %dma_start3A_87 = arith.constant 0 : i32
      %dma_start3A_88 = tpu.memref_slice %arg12[%mul3A_0, %dma_start3A_87] : memref<10008x128xf32, #tpu.memory_space<vmem_shared>> -> memref<624x128xf32, #tpu.memory_space<vmem_shared>>
      tpu.enqueue_dma source(%dma_start3A_88 : memref<624x128xf32, #tpu.memory_space<vmem_shared>>) target(%dma_start3A_86 : memref<624x128xf32, #tpu.memory_space<hbm>>) target_semaphore(%run_scoped3A : memref<!tpu.dma_semaphore, #tpu.memory_space<semaphore_mem>>)
      %dma_wait3A = arith.constant 0 : i32
      %dma_wait3A_89 = tpu.memref_slice %arg5[%add3A_27, %dma_wait3A] : memref<20000x128xf32, #tpu.memory_space<hbm>> -> memref<624x128xf32, #tpu.memory_space<hbm>>
      %dma_wait3A_90 = arith.constant 0 : i32
      %dma_wait3A_91 = tpu.memref_slice %arg12[%mul3A_0, %dma_wait3A_90] : memref<10008x128xf32, #tpu.memory_space<vmem_shared>> -> memref<624x128xf32, #tpu.memory_space<vmem_shared>>
      tpu.wait_dma2 semaphore(%run_scoped3A : memref<!tpu.dma_semaphore, #tpu.memory_space<semaphore_mem>>) src(%dma_wait3A_91 : memref<624x128xf32, #tpu.memory_space<vmem_shared>>) dst(%dma_wait3A_89 : memref<624x128xf32, #tpu.memory_space<hbm>>)
      tpu.yield
    }) : () -> ()
    %eq3A_28 = arith.constant 15 : i32
    %eq3A_29 = arith.cmpi eq, %arg1, %eq3A_28 : i32
    %convert_element_type3A_30 = arith.extui %eq3A_29 : i1 to i32
    %cond3A_31 = arith.constant 0 : i32
    %cond3A_32 = arith.cmpi ne, %convert_element_type3A_30, %cond3A_31 : i32
    scf.if %cond3A_32 {
      %mul3A_85 = arith.constant 10000 : i32
      %mul3A_86 = arith.muli %arg0, %mul3A_85 : i32
      %add3A_87 = arith.constant 9984 : i32
      %add3A_88 = arith.addi %mul3A_86, %add3A_87 : i32
      "tpu.region"() ({
        %run_scoped3A = tpu.sem_alloc : memref<!tpu.dma_semaphore, #tpu.memory_space<semaphore_mem>>
        %dma_start3A_89 = arith.constant 0 : i32
        %dma_start3A_90 = tpu.memref_slice %arg5[%add3A_88, %dma_start3A_89] : memref<20000x128xf32, #tpu.memory_space<hbm>> -> memref<16x128xf32, #tpu.memory_space<hbm>>
        %dma_start3A_91 = arith.constant 9984 : i32
        %dma_start3A_92 = arith.constant 0 : i32
        %dma_start3A_93 = tpu.memref_slice %arg12[%dma_start3A_91, %dma_start3A_92] : memref<10008x128xf32, #tpu.memory_space<vmem_shared>> -> memref<16x128xf32, #tpu.memory_space<vmem_shared>>
        tpu.enqueue_dma source(%dma_start3A_93 : memref<16x128xf32, #tpu.memory_space<vmem_shared>>) target(%dma_start3A_90 : memref<16x128xf32, #tpu.memory_space<hbm>>) target_semaphore(%run_scoped3A : memref<!tpu.dma_semaphore, #tpu.memory_space<semaphore_mem>>)
        %dma_wait3A = arith.constant 0 : i32
        %dma_wait3A_94 = tpu.memref_slice %arg5[%add3A_88, %dma_wait3A] : memref<20000x128xf32, #tpu.memory_space<hbm>> -> memref<16x128xf32, #tpu.memory_space<hbm>>
        %dma_wait3A_95 = arith.constant 9984 : i32
        %dma_wait3A_96 = arith.constant 0 : i32
        %dma_wait3A_97 = tpu.memref_slice %arg12[%dma_wait3A_95, %dma_wait3A_96] : memref<10008x128xf32, #tpu.memory_space<vmem_shared>> -> memref<16x128xf32, #tpu.memory_space<vmem_shared>>
        tpu.wait_dma2 semaphore(%run_scoped3A : memref<!tpu.dma_semaphore, #tpu.memory_space<semaphore_mem>>) src(%dma_wait3A_97 : memref<16x128xf32, #tpu.memory_space<vmem_shared>>) dst(%dma_wait3A_94 : memref<16x128xf32, #tpu.memory_space<hbm>>)
        tpu.yield
      }) : () -> ()
    } else {
    }
    %barrier3A_33 = arith.constant 0 : index
    tpu.barrier barrier_id(%barrier3A_33)
    %dma_start3A_34 = arith.constant 0 : i32
    %dma_start3A_35 = tpu.memref_slice %arg8[%dma_start3A_34] : memref<10192xi32, #tpu.memory_space<vmem>> -> memref<104xi32, #tpu.memory_space<vmem>>
    %dma_start3A_36 = arith.constant 0 : i32
    %dma_start3A_37 = arith.constant 0 : i32
    %dma_start3A_38 = tpu.memref_slice %arg5[%dma_start3A_36, %dma_start3A_37] : memref<20000x128xf32, #tpu.memory_space<hbm>> -> memref<20000x128xf32, #tpu.memory_space<hbm>>
    tpu.enqueue_indirect_dma source(%dma_start3A_38 : memref<20000x128xf32, #tpu.memory_space<hbm>>) target(%arg10 : memref<104x128xf32, #tpu.memory_space<vmem>>) offsets(%dma_start3A_35 : memref<104xi32, #tpu.memory_space<vmem>>) semaphore(%arg13 : memref<!tpu.dma_semaphore, #tpu.memory_space<semaphore_mem>>)
    %dma_start3A_39 = arith.constant 104 : i32
    %dma_start3A_40 = tpu.memref_slice %arg8[%dma_start3A_39] : memref<10192xi32, #tpu.memory_space<vmem>> -> memref<104xi32, #tpu.memory_space<vmem>>
    %dma_start3A_41 = arith.constant 0 : i32
    %dma_start3A_42 = arith.constant 0 : i32
    %dma_start3A_43 = tpu.memref_slice %arg5[%dma_start3A_41, %dma_start3A_42] : memref<20000x128xf32, #tpu.memory_space<hbm>> -> memref<20000x128xf32, #tpu.memory_space<hbm>>
    tpu.enqueue_indirect_dma source(%dma_start3A_43 : memref<20000x128xf32, #tpu.memory_space<hbm>>) target(%arg11 : memref<104x128xf32, #tpu.memory_space<vmem>>) offsets(%dma_start3A_40 : memref<104xi32, #tpu.memory_space<vmem>>) semaphore(%arg14 : memref<!tpu.dma_semaphore, #tpu.memory_space<semaphore_mem>>)
    %scan3A_44 = arith.constant 0 : i32
    %scan3A_45 = arith.constant 0 : i32
    %scan3A_46 = arith.constant 49 : i32
    %scan3A_47 = arith.addi %scan3A_45, %scan3A_46 : i32
    %scan3A_48 = arith.constant 1 : i32
    scf.for %scan3A_85 = %scan3A_45 to %scan3A_47 step %scan3A_48  : i32 {
      %mul3A_86 = arith.constant 2 : i32
      %mul3A_87 = arith.muli %mul3A_86, %scan3A_85 : i32
      %add3A_88 = arith.constant 1 : i32
      %add3A_89 = arith.addi %mul3A_87, %add3A_88 : i32
      %mul3A_90 = arith.constant 104 : i32
      %mul3A_91 = arith.muli %mul3A_87, %mul3A_90 : i32
      %dma_wait3A = tpu.memref_slice %arg8[%mul3A_91] : memref<10192xi32, #tpu.memory_space<vmem>> -> memref<104xi32, #tpu.memory_space<vmem>>
      %dma_wait3A_92 = arith.constant 0 : i32
      %dma_wait3A_93 = arith.constant 0 : i32
      %dma_wait3A_94 = tpu.memref_slice %arg5[%dma_wait3A_92, %dma_wait3A_93] : memref<20000x128xf32, #tpu.memory_space<hbm>> -> memref<20000x128xf32, #tpu.memory_space<hbm>>
      tpu.wait_indirect_dma semaphore(%arg13 : memref<!tpu.dma_semaphore, #tpu.memory_space<semaphore_mem>>) src(%dma_wait3A_94 : memref<20000x128xf32, #tpu.memory_space<hbm>>) dst(%arg10 : memref<104x128xf32, #tpu.memory_space<vmem>>)
      %dma_start3A_95 = arith.constant 0 : i32
      %dma_start3A_96 = tpu.memref_slice %arg9[%mul3A_87, %dma_start3A_95] : memref<98x104xi32, #tpu.memory_space<vmem>> -> memref<1x104xi32, #tpu.memory_space<vmem>>
      %dma_start3A_97 = tpu.memref_squeeze %dma_start3A_96 : memref<1x104xi32, #tpu.memory_space<vmem>> -> memref<104xi32, #tpu.memory_space<vmem>>
      %dma_start3A_98 = arith.constant 0 : i32
      %dma_start3A_99 = arith.constant 0 : i32
      %dma_start3A_100 = tpu.memref_slice %arg12[%dma_start3A_98, %dma_start3A_99] : memref<10008x128xf32, #tpu.memory_space<vmem_shared>> -> memref<10008x128xf32, #tpu.memory_space<vmem_shared>>
      tpu.enqueue_indirect_dma source(%arg10 : memref<104x128xf32, #tpu.memory_space<vmem>>) target(%dma_start3A_100 : memref<10008x128xf32, #tpu.memory_space<vmem_shared>>) offsets(%dma_start3A_97 : memref<104xi32, #tpu.memory_space<vmem>>) semaphore(%arg15 : memref<!tpu.dma_semaphore, #tpu.memory_space<semaphore_mem>>) {add = true}
      %dma_wait3A_101 = arith.constant 0 : i32
      %dma_wait3A_102 = tpu.memref_slice %arg9[%mul3A_87, %dma_wait3A_101] : memref<98x104xi32, #tpu.memory_space<vmem>> -> memref<1x104xi32, #tpu.memory_space<vmem>>
      %dma_wait3A_103 = tpu.memref_squeeze %dma_wait3A_102 : memref<1x104xi32, #tpu.memory_space<vmem>> -> memref<104xi32, #tpu.memory_space<vmem>>
      %dma_wait3A_104 = arith.constant 0 : i32
      %dma_wait3A_105 = arith.constant 0 : i32
      %dma_wait3A_106 = tpu.memref_slice %arg12[%dma_wait3A_104, %dma_wait3A_105] : memref<10008x128xf32, #tpu.memory_space<vmem_shared>> -> memref<10008x128xf32, #tpu.memory_space<vmem_shared>>
      tpu.wait_indirect_dma semaphore(%arg15 : memref<!tpu.dma_semaphore, #tpu.memory_space<semaphore_mem>>) src(%arg10 : memref<104x128xf32, #tpu.memory_space<vmem>>) dst(%dma_wait3A_106 : memref<10008x128xf32, #tpu.memory_space<vmem_shared>>)
      %add3A_107 = arith.constant 2 : i32
      %add3A_108 = arith.addi %mul3A_87, %add3A_107 : i32
      %lt3A = arith.constant 98 : i32
      %lt3A_109 = arith.cmpi slt, %add3A_108, %lt3A : i32
      %convert_element_type3A_110 = arith.extui %lt3A_109 : i1 to i32
      %cond3A_111 = arith.constant 0 : i32
      %cond3A_112 = arith.cmpi ne, %convert_element_type3A_110, %cond3A_111 : i32
      scf.if %cond3A_112 {
        %add3A_138 = arith.constant 2 : i32
        %add3A_139 = arith.addi %mul3A_87, %add3A_138 : i32
        %mul3A_140 = arith.constant 104 : i32
        %mul3A_141 = arith.muli %add3A_139, %mul3A_140 : i32
        %dma_start3A_142 = tpu.memref_slice %arg8[%mul3A_141] : memref<10192xi32, #tpu.memory_space<vmem>> -> memref<104xi32, #tpu.memory_space<vmem>>
        %dma_start3A_143 = arith.constant 0 : i32
        %dma_start3A_144 = arith.constant 0 : i32
        %dma_start3A_145 = tpu.memref_slice %arg5[%dma_start3A_143, %dma_start3A_144] : memref<20000x128xf32, #tpu.memory_space<hbm>> -> memref<20000x128xf32, #tpu.memory_space<hbm>>
        tpu.enqueue_indirect_dma source(%dma_start3A_145 : memref<20000x128xf32, #tpu.memory_space<hbm>>) target(%arg10 : memref<104x128xf32, #tpu.memory_space<vmem>>) offsets(%dma_start3A_142 : memref<104xi32, #tpu.memory_space<vmem>>) semaphore(%arg13 : memref<!tpu.dma_semaphore, #tpu.memory_space<semaphore_mem>>)
      } else {
      }
      %mul3A_113 = arith.constant 104 : i32
      %mul3A_114 = arith.muli %add3A_89, %mul3A_113 : i32
      %dma_wait3A_115 = tpu.memref_slice %arg8[%mul3A_114] : memref<10192xi32, #tpu.memory_space<vmem>> -> memref<104xi32, #tpu.memory_space<vmem>>
      %dma_wait3A_116 = arith.constant 0 : i32
      %dma_wait3A_117 = arith.constant 0 : i32
      %dma_wait3A_118 = tpu.memref_slice %arg5[%dma_wait3A_116, %dma_wait3A_117] : memref<20000x128xf32, #tpu.memory_space<hbm>> -> memref<20000x128xf32, #tpu.memory_space<hbm>>
      tpu.wait_indirect_dma semaphore(%arg14 : memref<!tpu.dma_semaphore, #tpu.memory_space<semaphore_mem>>) src(%dma_wait3A_118 : memref<20000x128xf32, #tpu.memory_space<hbm>>) dst(%arg11 : memref<104x128xf32, #tpu.memory_space<vmem>>)
      %dma_start3A_119 = arith.constant 0 : i32
      %dma_start3A_120 = tpu.memref_slice %arg9[%add3A_89, %dma_start3A_119] : memref<98x104xi32, #tpu.memory_space<vmem>> -> memref<1x104xi32, #tpu.memory_space<vmem>>
      %dma_start3A_121 = tpu.memref_squeeze %dma_start3A_120 : memref<1x104xi32, #tpu.memory_space<vmem>> -> memref<104xi32, #tpu.memory_space<vmem>>
      %dma_start3A_122 = arith.constant 0 : i32
      %dma_start3A_123 = arith.constant 0 : i32
      %dma_start3A_124 = tpu.memref_slice %arg12[%dma_start3A_122, %dma_start3A_123] : memref<10008x128xf32, #tpu.memory_space<vmem_shared>> -> memref<10008x128xf32, #tpu.memory_space<vmem_shared>>
      tpu.enqueue_indirect_dma source(%arg11 : memref<104x128xf32, #tpu.memory_space<vmem>>) target(%dma_start3A_124 : memref<10008x128xf32, #tpu.memory_space<vmem_shared>>) offsets(%dma_start3A_121 : memref<104xi32, #tpu.memory_space<vmem>>) semaphore(%arg16 : memref<!tpu.dma_semaphore, #tpu.memory_space<semaphore_mem>>) {add = true}
      %dma_wait3A_125 = arith.constant 0 : i32
      %dma_wait3A_126 = tpu.memref_slice %arg9[%add3A_89, %dma_wait3A_125] : memref<98x104xi32, #tpu.memory_space<vmem>> -> memref<1x104xi32, #tpu.memory_space<vmem>>
      %dma_wait3A_127 = tpu.memref_squeeze %dma_wait3A_126 : memref<1x104xi32, #tpu.memory_space<vmem>> -> memref<104xi32, #tpu.memory_space<vmem>>
      %dma_wait3A_128 = arith.constant 0 : i32
      %dma_wait3A_129 = arith.constant 0 : i32
      %dma_wait3A_130 = tpu.memref_slice %arg12[%dma_wait3A_128, %dma_wait3A_129] : memref<10008x128xf32, #tpu.memory_space<vmem_shared>> -> memref<10008x128xf32, #tpu.memory_space<vmem_shared>>
      tpu.wait_indirect_dma semaphore(%arg16 : memref<!tpu.dma_semaphore, #tpu.memory_space<semaphore_mem>>) src(%arg11 : memref<104x128xf32, #tpu.memory_space<vmem>>) dst(%dma_wait3A_130 : memref<10008x128xf32, #tpu.memory_space<vmem_shared>>)
      %add3A_131 = arith.constant 2 : i32
      %add3A_132 = arith.addi %add3A_89, %add3A_131 : i32
      %lt3A_133 = arith.constant 98 : i32
      %lt3A_134 = arith.cmpi slt, %add3A_132, %lt3A_133 : i32
      %convert_element_type3A_135 = arith.extui %lt3A_134 : i1 to i32
      %cond3A_136 = arith.constant 0 : i32
      %cond3A_137 = arith.cmpi ne, %convert_element_type3A_135, %cond3A_136 : i32
      scf.if %cond3A_137 {
        %add3A_138 = arith.constant 2 : i32
        %add3A_139 = arith.addi %add3A_89, %add3A_138 : i32
        %mul3A_140 = arith.constant 104 : i32
        %mul3A_141 = arith.muli %add3A_139, %mul3A_140 : i32
        %dma_start3A_142 = tpu.memref_slice %arg8[%mul3A_141] : memref<10192xi32, #tpu.memory_space<vmem>> -> memref<104xi32, #tpu.memory_space<vmem>>
        %dma_start3A_143 = arith.constant 0 : i32
        %dma_start3A_144 = arith.constant 0 : i32
        %dma_start3A_145 = tpu.memref_slice %arg5[%dma_start3A_143, %dma_start3A_144] : memref<20000x128xf32, #tpu.memory_space<hbm>> -> memref<20000x128xf32, #tpu.memory_space<hbm>>
        tpu.enqueue_indirect_dma source(%dma_start3A_145 : memref<20000x128xf32, #tpu.memory_space<hbm>>) target(%arg11 : memref<104x128xf32, #tpu.memory_space<vmem>>) offsets(%dma_start3A_142 : memref<104xi32, #tpu.memory_space<vmem>>) semaphore(%arg14 : memref<!tpu.dma_semaphore, #tpu.memory_space<semaphore_mem>>)
      } else {
      }
    }
    %scan3A_49 = arith.constant 49 : i32
    %barrier3A_50 = arith.constant 0 : index
    tpu.barrier barrier_id(%barrier3A_50)
    %mul3A_51 = arith.constant 10000 : i32
    %mul3A_52 = arith.muli %arg0, %mul3A_51 : i32
    %add3A_53 = arith.addi %mul3A_52, %mul3A_0 : i32
    "tpu.region"() ({
      %run_scoped3A = tpu.sem_alloc : memref<!tpu.dma_semaphore, #tpu.memory_space<semaphore_mem>>
      %dma_start3A_85 = arith.constant 0 : i32
      %dma_start3A_86 = tpu.memref_slice %arg6[%add3A_53, %dma_start3A_85] : memref<20000x128xf32, #tpu.memory_space<hbm>> -> memref<624x128xf32, #tpu.memory_space<hbm>>
      %dma_start3A_87 = arith.constant 0 : i32
      %dma_start3A_88 = tpu.memref_slice %arg12[%mul3A_0, %dma_start3A_87] : memref<10008x128xf32, #tpu.memory_space<vmem_shared>> -> memref<624x128xf32, #tpu.memory_space<vmem_shared>>
      tpu.enqueue_dma source(%dma_start3A_88 : memref<624x128xf32, #tpu.memory_space<vmem_shared>>) target(%dma_start3A_86 : memref<624x128xf32, #tpu.memory_space<hbm>>) target_semaphore(%run_scoped3A : memref<!tpu.dma_semaphore, #tpu.memory_space<semaphore_mem>>)
      %dma_wait3A = arith.constant 0 : i32
      %dma_wait3A_89 = tpu.memref_slice %arg6[%add3A_53, %dma_wait3A] : memref<20000x128xf32, #tpu.memory_space<hbm>> -> memref<624x128xf32, #tpu.memory_space<hbm>>
      %dma_wait3A_90 = arith.constant 0 : i32
      %dma_wait3A_91 = tpu.memref_slice %arg12[%mul3A_0, %dma_wait3A_90] : memref<10008x128xf32, #tpu.memory_space<vmem_shared>> -> memref<624x128xf32, #tpu.memory_space<vmem_shared>>
      tpu.wait_dma2 semaphore(%run_scoped3A : memref<!tpu.dma_semaphore, #tpu.memory_space<semaphore_mem>>) src(%dma_wait3A_91 : memref<624x128xf32, #tpu.memory_space<vmem_shared>>) dst(%dma_wait3A_89 : memref<624x128xf32, #tpu.memory_space<hbm>>)
      tpu.yield
    }) : () -> ()
    %eq3A_54 = arith.constant 15 : i32
    %eq3A_55 = arith.cmpi eq, %arg1, %eq3A_54 : i32
    %convert_element_type3A_56 = arith.extui %eq3A_55 : i1 to i32
    %cond3A_57 = arith.constant 0 : i32
    %cond3A_58 = arith.cmpi ne, %convert_element_type3A_56, %cond3A_57 : i32
    scf.if %cond3A_58 {
      %mul3A_85 = arith.constant 10000 : i32
      %mul3A_86 = arith.muli %arg0, %mul3A_85 : i32
      %add3A_87 = arith.constant 9984 : i32
      %add3A_88 = arith.addi %mul3A_86, %add3A_87 : i32
      "tpu.region"() ({
        %run_scoped3A = tpu.sem_alloc : memref<!tpu.dma_semaphore, #tpu.memory_space<semaphore_mem>>
        %dma_start3A_89 = arith.constant 0 : i32
        %dma_start3A_90 = tpu.memref_slice %arg6[%add3A_88, %dma_start3A_89] : memref<20000x128xf32, #tpu.memory_space<hbm>> -> memref<16x128xf32, #tpu.memory_space<hbm>>
        %dma_start3A_91 = arith.constant 9984 : i32
        %dma_start3A_92 = arith.constant 0 : i32
        %dma_start3A_93 = tpu.memref_slice %arg12[%dma_start3A_91, %dma_start3A_92] : memref<10008x128xf32, #tpu.memory_space<vmem_shared>> -> memref<16x128xf32, #tpu.memory_space<vmem_shared>>
        tpu.enqueue_dma source(%dma_start3A_93 : memref<16x128xf32, #tpu.memory_space<vmem_shared>>) target(%dma_start3A_90 : memref<16x128xf32, #tpu.memory_space<hbm>>) target_semaphore(%run_scoped3A : memref<!tpu.dma_semaphore, #tpu.memory_space<semaphore_mem>>)
        %dma_wait3A = arith.constant 0 : i32
        %dma_wait3A_94 = tpu.memref_slice %arg6[%add3A_88, %dma_wait3A] : memref<20000x128xf32, #tpu.memory_space<hbm>> -> memref<16x128xf32, #tpu.memory_space<hbm>>
        %dma_wait3A_95 = arith.constant 9984 : i32
        %dma_wait3A_96 = arith.constant 0 : i32
        %dma_wait3A_97 = tpu.memref_slice %arg12[%dma_wait3A_95, %dma_wait3A_96] : memref<10008x128xf32, #tpu.memory_space<vmem_shared>> -> memref<16x128xf32, #tpu.memory_space<vmem_shared>>
        tpu.wait_dma2 semaphore(%run_scoped3A : memref<!tpu.dma_semaphore, #tpu.memory_space<semaphore_mem>>) src(%dma_wait3A_97 : memref<16x128xf32, #tpu.memory_space<vmem_shared>>) dst(%dma_wait3A_94 : memref<16x128xf32, #tpu.memory_space<hbm>>)
        tpu.yield
      }) : () -> ()
    } else {
    }
    %barrier3A_59 = arith.constant 0 : index
    tpu.barrier barrier_id(%barrier3A_59)
    %dma_start3A_60 = arith.constant 0 : i32
    %dma_start3A_61 = tpu.memref_slice %arg8[%dma_start3A_60] : memref<10192xi32, #tpu.memory_space<vmem>> -> memref<104xi32, #tpu.memory_space<vmem>>
    %dma_start3A_62 = arith.constant 0 : i32
    %dma_start3A_63 = arith.constant 0 : i32
    %dma_start3A_64 = tpu.memref_slice %arg6[%dma_start3A_62, %dma_start3A_63] : memref<20000x128xf32, #tpu.memory_space<hbm>> -> memref<20000x128xf32, #tpu.memory_space<hbm>>
    tpu.enqueue_indirect_dma source(%dma_start3A_64 : memref<20000x128xf32, #tpu.memory_space<hbm>>) target(%arg10 : memref<104x128xf32, #tpu.memory_space<vmem>>) offsets(%dma_start3A_61 : memref<104xi32, #tpu.memory_space<vmem>>) semaphore(%arg13 : memref<!tpu.dma_semaphore, #tpu.memory_space<semaphore_mem>>)
    %dma_start3A_65 = arith.constant 104 : i32
    %dma_start3A_66 = tpu.memref_slice %arg8[%dma_start3A_65] : memref<10192xi32, #tpu.memory_space<vmem>> -> memref<104xi32, #tpu.memory_space<vmem>>
    %dma_start3A_67 = arith.constant 0 : i32
    %dma_start3A_68 = arith.constant 0 : i32
    %dma_start3A_69 = tpu.memref_slice %arg6[%dma_start3A_67, %dma_start3A_68] : memref<20000x128xf32, #tpu.memory_space<hbm>> -> memref<20000x128xf32, #tpu.memory_space<hbm>>
    tpu.enqueue_indirect_dma source(%dma_start3A_69 : memref<20000x128xf32, #tpu.memory_space<hbm>>) target(%arg11 : memref<104x128xf32, #tpu.memory_space<vmem>>) offsets(%dma_start3A_66 : memref<104xi32, #tpu.memory_space<vmem>>) semaphore(%arg14 : memref<!tpu.dma_semaphore, #tpu.memory_space<semaphore_mem>>)
    %scan3A_70 = arith.constant 0 : i32
    %scan3A_71 = arith.constant 0 : i32
    %scan3A_72 = arith.constant 49 : i32
    %scan3A_73 = arith.addi %scan3A_71, %scan3A_72 : i32
    %scan3A_74 = arith.constant 1 : i32
    scf.for %scan3A_85 = %scan3A_71 to %scan3A_73 step %scan3A_74  : i32 {
      %mul3A_86 = arith.constant 2 : i32
      %mul3A_87 = arith.muli %mul3A_86, %scan3A_85 : i32
      %add3A_88 = arith.constant 1 : i32
      %add3A_89 = arith.addi %mul3A_87, %add3A_88 : i32
      %mul3A_90 = arith.constant 104 : i32
      %mul3A_91 = arith.muli %mul3A_87, %mul3A_90 : i32
      %dma_wait3A = tpu.memref_slice %arg8[%mul3A_91] : memref<10192xi32, #tpu.memory_space<vmem>> -> memref<104xi32, #tpu.memory_space<vmem>>
      %dma_wait3A_92 = arith.constant 0 : i32
      %dma_wait3A_93 = arith.constant 0 : i32
      %dma_wait3A_94 = tpu.memref_slice %arg6[%dma_wait3A_92, %dma_wait3A_93] : memref<20000x128xf32, #tpu.memory_space<hbm>> -> memref<20000x128xf32, #tpu.memory_space<hbm>>
      tpu.wait_indirect_dma semaphore(%arg13 : memref<!tpu.dma_semaphore, #tpu.memory_space<semaphore_mem>>) src(%dma_wait3A_94 : memref<20000x128xf32, #tpu.memory_space<hbm>>) dst(%arg10 : memref<104x128xf32, #tpu.memory_space<vmem>>)
      %dma_start3A_95 = arith.constant 0 : i32
      %dma_start3A_96 = tpu.memref_slice %arg9[%mul3A_87, %dma_start3A_95] : memref<98x104xi32, #tpu.memory_space<vmem>> -> memref<1x104xi32, #tpu.memory_space<vmem>>
      %dma_start3A_97 = tpu.memref_squeeze %dma_start3A_96 : memref<1x104xi32, #tpu.memory_space<vmem>> -> memref<104xi32, #tpu.memory_space<vmem>>
      %dma_start3A_98 = arith.constant 0 : i32
      %dma_start3A_99 = arith.constant 0 : i32
      %dma_start3A_100 = tpu.memref_slice %arg12[%dma_start3A_98, %dma_start3A_99] : memref<10008x128xf32, #tpu.memory_space<vmem_shared>> -> memref<10008x128xf32, #tpu.memory_space<vmem_shared>>
      tpu.enqueue_indirect_dma source(%arg10 : memref<104x128xf32, #tpu.memory_space<vmem>>) target(%dma_start3A_100 : memref<10008x128xf32, #tpu.memory_space<vmem_shared>>) offsets(%dma_start3A_97 : memref<104xi32, #tpu.memory_space<vmem>>) semaphore(%arg15 : memref<!tpu.dma_semaphore, #tpu.memory_space<semaphore_mem>>) {add = true}
      %dma_wait3A_101 = arith.constant 0 : i32
      %dma_wait3A_102 = tpu.memref_slice %arg9[%mul3A_87, %dma_wait3A_101] : memref<98x104xi32, #tpu.memory_space<vmem>> -> memref<1x104xi32, #tpu.memory_space<vmem>>
      %dma_wait3A_103 = tpu.memref_squeeze %dma_wait3A_102 : memref<1x104xi32, #tpu.memory_space<vmem>> -> memref<104xi32, #tpu.memory_space<vmem>>
      %dma_wait3A_104 = arith.constant 0 : i32
      %dma_wait3A_105 = arith.constant 0 : i32
      %dma_wait3A_106 = tpu.memref_slice %arg12[%dma_wait3A_104, %dma_wait3A_105] : memref<10008x128xf32, #tpu.memory_space<vmem_shared>> -> memref<10008x128xf32, #tpu.memory_space<vmem_shared>>
      tpu.wait_indirect_dma semaphore(%arg15 : memref<!tpu.dma_semaphore, #tpu.memory_space<semaphore_mem>>) src(%arg10 : memref<104x128xf32, #tpu.memory_space<vmem>>) dst(%dma_wait3A_106 : memref<10008x128xf32, #tpu.memory_space<vmem_shared>>)
      %add3A_107 = arith.constant 2 : i32
      %add3A_108 = arith.addi %mul3A_87, %add3A_107 : i32
      %lt3A = arith.constant 98 : i32
      %lt3A_109 = arith.cmpi slt, %add3A_108, %lt3A : i32
      %convert_element_type3A_110 = arith.extui %lt3A_109 : i1 to i32
      %cond3A_111 = arith.constant 0 : i32
      %cond3A_112 = arith.cmpi ne, %convert_element_type3A_110, %cond3A_111 : i32
      scf.if %cond3A_112 {
        %add3A_138 = arith.constant 2 : i32
        %add3A_139 = arith.addi %mul3A_87, %add3A_138 : i32
        %mul3A_140 = arith.constant 104 : i32
        %mul3A_141 = arith.muli %add3A_139, %mul3A_140 : i32
        %dma_start3A_142 = tpu.memref_slice %arg8[%mul3A_141] : memref<10192xi32, #tpu.memory_space<vmem>> -> memref<104xi32, #tpu.memory_space<vmem>>
        %dma_start3A_143 = arith.constant 0 : i32
        %dma_start3A_144 = arith.constant 0 : i32
        %dma_start3A_145 = tpu.memref_slice %arg6[%dma_start3A_143, %dma_start3A_144] : memref<20000x128xf32, #tpu.memory_space<hbm>> -> memref<20000x128xf32, #tpu.memory_space<hbm>>
        tpu.enqueue_indirect_dma source(%dma_start3A_145 : memref<20000x128xf32, #tpu.memory_space<hbm>>) target(%arg10 : memref<104x128xf32, #tpu.memory_space<vmem>>) offsets(%dma_start3A_142 : memref<104xi32, #tpu.memory_space<vmem>>) semaphore(%arg13 : memref<!tpu.dma_semaphore, #tpu.memory_space<semaphore_mem>>)
      } else {
      }
      %mul3A_113 = arith.constant 104 : i32
      %mul3A_114 = arith.muli %add3A_89, %mul3A_113 : i32
      %dma_wait3A_115 = tpu.memref_slice %arg8[%mul3A_114] : memref<10192xi32, #tpu.memory_space<vmem>> -> memref<104xi32, #tpu.memory_space<vmem>>
      %dma_wait3A_116 = arith.constant 0 : i32
      %dma_wait3A_117 = arith.constant 0 : i32
      %dma_wait3A_118 = tpu.memref_slice %arg6[%dma_wait3A_116, %dma_wait3A_117] : memref<20000x128xf32, #tpu.memory_space<hbm>> -> memref<20000x128xf32, #tpu.memory_space<hbm>>
      tpu.wait_indirect_dma semaphore(%arg14 : memref<!tpu.dma_semaphore, #tpu.memory_space<semaphore_mem>>) src(%dma_wait3A_118 : memref<20000x128xf32, #tpu.memory_space<hbm>>) dst(%arg11 : memref<104x128xf32, #tpu.memory_space<vmem>>)
      %dma_start3A_119 = arith.constant 0 : i32
      %dma_start3A_120 = tpu.memref_slice %arg9[%add3A_89, %dma_start3A_119] : memref<98x104xi32, #tpu.memory_space<vmem>> -> memref<1x104xi32, #tpu.memory_space<vmem>>
      %dma_start3A_121 = tpu.memref_squeeze %dma_start3A_120 : memref<1x104xi32, #tpu.memory_space<vmem>> -> memref<104xi32, #tpu.memory_space<vmem>>
      %dma_start3A_122 = arith.constant 0 : i32
      %dma_start3A_123 = arith.constant 0 : i32
      %dma_start3A_124 = tpu.memref_slice %arg12[%dma_start3A_122, %dma_start3A_123] : memref<10008x128xf32, #tpu.memory_space<vmem_shared>> -> memref<10008x128xf32, #tpu.memory_space<vmem_shared>>
      tpu.enqueue_indirect_dma source(%arg11 : memref<104x128xf32, #tpu.memory_space<vmem>>) target(%dma_start3A_124 : memref<10008x128xf32, #tpu.memory_space<vmem_shared>>) offsets(%dma_start3A_121 : memref<104xi32, #tpu.memory_space<vmem>>) semaphore(%arg16 : memref<!tpu.dma_semaphore, #tpu.memory_space<semaphore_mem>>) {add = true}
      %dma_wait3A_125 = arith.constant 0 : i32
      %dma_wait3A_126 = tpu.memref_slice %arg9[%add3A_89, %dma_wait3A_125] : memref<98x104xi32, #tpu.memory_space<vmem>> -> memref<1x104xi32, #tpu.memory_space<vmem>>
      %dma_wait3A_127 = tpu.memref_squeeze %dma_wait3A_126 : memref<1x104xi32, #tpu.memory_space<vmem>> -> memref<104xi32, #tpu.memory_space<vmem>>
      %dma_wait3A_128 = arith.constant 0 : i32
      %dma_wait3A_129 = arith.constant 0 : i32
      %dma_wait3A_130 = tpu.memref_slice %arg12[%dma_wait3A_128, %dma_wait3A_129] : memref<10008x128xf32, #tpu.memory_space<vmem_shared>> -> memref<10008x128xf32, #tpu.memory_space<vmem_shared>>
      tpu.wait_indirect_dma semaphore(%arg16 : memref<!tpu.dma_semaphore, #tpu.memory_space<semaphore_mem>>) src(%arg11 : memref<104x128xf32, #tpu.memory_space<vmem>>) dst(%dma_wait3A_130 : memref<10008x128xf32, #tpu.memory_space<vmem_shared>>)
      %add3A_131 = arith.constant 2 : i32
      %add3A_132 = arith.addi %add3A_89, %add3A_131 : i32
      %lt3A_133 = arith.constant 98 : i32
      %lt3A_134 = arith.cmpi slt, %add3A_132, %lt3A_133 : i32
      %convert_element_type3A_135 = arith.extui %lt3A_134 : i1 to i32
      %cond3A_136 = arith.constant 0 : i32
      %cond3A_137 = arith.cmpi ne, %convert_element_type3A_135, %cond3A_136 : i32
      scf.if %cond3A_137 {
        %add3A_138 = arith.constant 2 : i32
        %add3A_139 = arith.addi %add3A_89, %add3A_138 : i32
        %mul3A_140 = arith.constant 104 : i32
        %mul3A_141 = arith.muli %add3A_139, %mul3A_140 : i32
        %dma_start3A_142 = tpu.memref_slice %arg8[%mul3A_141] : memref<10192xi32, #tpu.memory_space<vmem>> -> memref<104xi32, #tpu.memory_space<vmem>>
        %dma_start3A_143 = arith.constant 0 : i32
        %dma_start3A_144 = arith.constant 0 : i32
        %dma_start3A_145 = tpu.memref_slice %arg6[%dma_start3A_143, %dma_start3A_144] : memref<20000x128xf32, #tpu.memory_space<hbm>> -> memref<20000x128xf32, #tpu.memory_space<hbm>>
        tpu.enqueue_indirect_dma source(%dma_start3A_145 : memref<20000x128xf32, #tpu.memory_space<hbm>>) target(%arg11 : memref<104x128xf32, #tpu.memory_space<vmem>>) offsets(%dma_start3A_142 : memref<104xi32, #tpu.memory_space<vmem>>) semaphore(%arg14 : memref<!tpu.dma_semaphore, #tpu.memory_space<semaphore_mem>>)
      } else {
      }
    }
    %scan3A_75 = arith.constant 49 : i32
    %barrier3A_76 = arith.constant 0 : index
    tpu.barrier barrier_id(%barrier3A_76)
    %mul3A_77 = arith.constant 10000 : i32
    %mul3A_78 = arith.muli %arg0, %mul3A_77 : i32
    %add3A_79 = arith.addi %mul3A_78, %mul3A_0 : i32
    "tpu.region"() ({
      %run_scoped3A = tpu.sem_alloc : memref<!tpu.dma_semaphore, #tpu.memory_space<semaphore_mem>>
      %dma_start3A_85 = arith.constant 0 : i32
      %dma_start3A_86 = tpu.memref_slice %arg7[%add3A_79, %dma_start3A_85] : memref<20000x128xf32, #tpu.memory_space<hbm>> -> memref<624x128xf32, #tpu.memory_space<hbm>>
      %dma_start3A_87 = arith.constant 0 : i32
      %dma_start3A_88 = tpu.memref_slice %arg12[%mul3A_0, %dma_start3A_87] : memref<10008x128xf32, #tpu.memory_space<vmem_shared>> -> memref<624x128xf32, #tpu.memory_space<vmem_shared>>
      tpu.enqueue_dma source(%dma_start3A_88 : memref<624x128xf32, #tpu.memory_space<vmem_shared>>) target(%dma_start3A_86 : memref<624x128xf32, #tpu.memory_space<hbm>>) target_semaphore(%run_scoped3A : memref<!tpu.dma_semaphore, #tpu.memory_space<semaphore_mem>>)
      %dma_wait3A = arith.constant 0 : i32
      %dma_wait3A_89 = tpu.memref_slice %arg7[%add3A_79, %dma_wait3A] : memref<20000x128xf32, #tpu.memory_space<hbm>> -> memref<624x128xf32, #tpu.memory_space<hbm>>
      %dma_wait3A_90 = arith.constant 0 : i32
      %dma_wait3A_91 = tpu.memref_slice %arg12[%mul3A_0, %dma_wait3A_90] : memref<10008x128xf32, #tpu.memory_space<vmem_shared>> -> memref<624x128xf32, #tpu.memory_space<vmem_shared>>
      tpu.wait_dma2 semaphore(%run_scoped3A : memref<!tpu.dma_semaphore, #tpu.memory_space<semaphore_mem>>) src(%dma_wait3A_91 : memref<624x128xf32, #tpu.memory_space<vmem_shared>>) dst(%dma_wait3A_89 : memref<624x128xf32, #tpu.memory_space<hbm>>)
      tpu.yield
    }) : () -> ()
    %eq3A_80 = arith.constant 15 : i32
    %eq3A_81 = arith.cmpi eq, %arg1, %eq3A_80 : i32
    %convert_element_type3A_82 = arith.extui %eq3A_81 : i1 to i32
    %cond3A_83 = arith.constant 0 : i32
    %cond3A_84 = arith.cmpi ne, %convert_element_type3A_82, %cond3A_83 : i32
    scf.if %cond3A_84 {
      %mul3A_85 = arith.constant 10000 : i32
      %mul3A_86 = arith.muli %arg0, %mul3A_85 : i32
      %add3A_87 = arith.constant 9984 : i32
      %add3A_88 = arith.addi %mul3A_86, %add3A_87 : i32
      "tpu.region"() ({
        %run_scoped3A = tpu.sem_alloc : memref<!tpu.dma_semaphore, #tpu.memory_space<semaphore_mem>>
        %dma_start3A_89 = arith.constant 0 : i32
        %dma_start3A_90 = tpu.memref_slice %arg7[%add3A_88, %dma_start3A_89] : memref<20000x128xf32, #tpu.memory_space<hbm>> -> memref<16x128xf32, #tpu.memory_space<hbm>>
        %dma_start3A_91 = arith.constant 9984 : i32
        %dma_start3A_92 = arith.constant 0 : i32
        %dma_start3A_93 = tpu.memref_slice %arg12[%dma_start3A_91, %dma_start3A_92] : memref<10008x128xf32, #tpu.memory_space<vmem_shared>> -> memref<16x128xf32, #tpu.memory_space<vmem_shared>>
        tpu.enqueue_dma source(%dma_start3A_93 : memref<16x128xf32, #tpu.memory_space<vmem_shared>>) target(%dma_start3A_90 : memref<16x128xf32, #tpu.memory_space<hbm>>) target_semaphore(%run_scoped3A : memref<!tpu.dma_semaphore, #tpu.memory_space<semaphore_mem>>)
        %dma_wait3A = arith.constant 0 : i32
        %dma_wait3A_94 = tpu.memref_slice %arg7[%add3A_88, %dma_wait3A] : memref<20000x128xf32, #tpu.memory_space<hbm>> -> memref<16x128xf32, #tpu.memory_space<hbm>>
        %dma_wait3A_95 = arith.constant 9984 : i32
        %dma_wait3A_96 = arith.constant 0 : i32
        %dma_wait3A_97 = tpu.memref_slice %arg12[%dma_wait3A_95, %dma_wait3A_96] : memref<10008x128xf32, #tpu.memory_space<vmem_shared>> -> memref<16x128xf32, #tpu.memory_space<vmem_shared>>
        tpu.wait_dma2 semaphore(%run_scoped3A : memref<!tpu.dma_semaphore, #tpu.memory_space<semaphore_mem>>) src(%dma_wait3A_97 : memref<16x128xf32, #tpu.memory_space<vmem_shared>>) dst(%dma_wait3A_94 : memref<16x128xf32, #tpu.memory_space<hbm>>)
        tpu.yield
      }) : () -> ()
    } else {
    }
    return
  }
}

#map = affine_map<(d0, d1) -> (0, 0)>
#map1 = affine_map<(d0, d1) -> (0)>
#map2 = affine_map<(d0, d1) -> (0, 0, 0)>
module attributes {stable_mosaic.version = 14 : i64} {
  func.func @_chain_body(%arg0: i32, %arg1: i32, %arg2: memref<20000x128xf32, #tpu.memory_space<hbm>>, %arg3: memref<326144xi32, #tpu.memory_space<hbm>>, %arg4: memref<16x98x104xi32, #tpu.memory_space<hbm>>, %arg5: memref<20000x128xf32, #tpu.memory_space<hbm>>, %arg6: memref<20000x128xf32, #tpu.memory_space<hbm>>, %arg7: memref<20000x128xf32, #tpu.memory_space<hbm>>, %arg8: memref<10192xi32, #tpu.memory_space<vmem>>, %arg9: memref<98x104xi32, #tpu.memory_space<vmem>>, %arg10: memref<104x128xf32, #tpu.memory_space<vmem>>, %arg11: memref<104x128xf32, #tpu.memory_space<vmem>>, %arg12: memref<10008x128xf32, #tpu.memory_space<vmem_shared>>, %arg13: memref<!tpu.dma_semaphore, #tpu.memory_space<semaphore_mem>>, %arg14: memref<!tpu.dma_semaphore, #tpu.memory_space<semaphore_mem>>, %arg15: memref<!tpu.dma_semaphore, #tpu.memory_space<semaphore_mem>>, %arg16: memref<!tpu.dma_semaphore, #tpu.memory_space<semaphore_mem>>) attributes {dimension_semantics = [#tpu.dimension_semantics<core_parallel>, #tpu.dimension_semantics<subcore_parallel>], iteration_bounds = array<i64: 2, 16>, scalar_prefetch = 0 : i64, scratch_operands = 9 : i64, tpu.core_type = #tpu.core_type<sc_vector_subcore>, window_params = [{transform_indices = #map}, {transform_indices = #map1}, {transform_indices = #map2}, {transform_indices = #map}, {transform_indices = #map}, {transform_indices = #map}]} {
    %mul3A = arith.constant 624 : i32
    %mul3A_0 = arith.muli %arg1, %mul3A : i32
    %mul3A_1 = arith.constant 16 : i32
    %mul3A_2 = arith.muli %arg0, %mul3A_1 : i32
    %add3A = arith.addi %mul3A_2, %arg1 : i32
    %mul3A_3 = arith.constant 10000 : i32
    %mul3A_4 = arith.muli %arg0, %mul3A_3 : i32
    %add3A_5 = arith.addi %mul3A_4, %mul3A_0 : i32
    "tpu.region"() ({
      %run_scoped3A = tpu.sem_alloc : memref<!tpu.dma_semaphore, #tpu.memory_space<semaphore_mem>>
      %dma_start3A_85 = arith.constant 0 : i32
      %dma_start3A_86 = tpu.memref_slice %arg12[%mul3A_0, %dma_start3A_85] : memref<10008x128xf32, #tpu.memory_space<vmem_shared>> -> memref<624x128xf32, #tpu.memory_space<vmem_shared>>
      %dma_start3A_87 = arith.constant 0 : i32
      %dma_start3A_88 = tpu.memref_slice %arg2[%add3A_5, %dma_start3A_87] : memref<20000x128xf32, #tpu.memory_space<hbm>> -> memref<624x128xf32, #tpu.memory_space<hbm>>
      tpu.enqueue_dma source(%dma_start3A_88 : memref<624x128xf32, #tpu.memory_space<hbm>>) target(%dma_start3A_86 : memref<624x128xf32, #tpu.memory_space<vmem_shared>>) target_semaphore(%run_scoped3A : memref<!tpu.dma_semaphore, #tpu.memory_space<semaphore_mem>>)
      %dma_wait3A = arith.constant 0 : i32
      %dma_wait3A_89 = tpu.memref_slice %arg12[%mul3A_0, %dma_wait3A] : memref<10008x128xf32, #tpu.memory_space<vmem_shared>> -> memref<624x128xf32, #tpu.memory_space<vmem_shared>>
      %dma_wait3A_90 = arith.constant 0 : i32
      %dma_wait3A_91 = tpu.memref_slice %arg2[%add3A_5, %dma_wait3A_90] : memref<20000x128xf32, #tpu.memory_space<hbm>> -> memref<624x128xf32, #tpu.memory_space<hbm>>
      tpu.wait_dma2 semaphore(%run_scoped3A : memref<!tpu.dma_semaphore, #tpu.memory_space<semaphore_mem>>) src(%dma_wait3A_91 : memref<624x128xf32, #tpu.memory_space<hbm>>) dst(%dma_wait3A_89 : memref<624x128xf32, #tpu.memory_space<vmem_shared>>)
      tpu.yield
    }) : () -> ()
    %eq3A = arith.constant 15 : i32
    %eq3A_6 = arith.cmpi eq, %arg1, %eq3A : i32
    %convert_element_type3A = arith.extui %eq3A_6 : i1 to i32
    %cond3A = arith.constant 0 : i32
    %cond3A_7 = arith.cmpi ne, %convert_element_type3A, %cond3A : i32
    scf.if %cond3A_7 {
      %mul3A_85 = arith.constant 10000 : i32
      %mul3A_86 = arith.muli %arg0, %mul3A_85 : i32
      %add3A_87 = arith.constant 9984 : i32
      %add3A_88 = arith.addi %mul3A_86, %add3A_87 : i32
      "tpu.region"() ({
        %run_scoped3A = tpu.sem_alloc : memref<!tpu.dma_semaphore, #tpu.memory_space<semaphore_mem>>
        %dma_start3A_89 = arith.constant 9984 : i32
        %dma_start3A_90 = arith.constant 0 : i32
        %dma_start3A_91 = tpu.memref_slice %arg12[%dma_start3A_89, %dma_start3A_90] : memref<10008x128xf32, #tpu.memory_space<vmem_shared>> -> memref<16x128xf32, #tpu.memory_space<vmem_shared>>
        %dma_start3A_92 = arith.constant 0 : i32
        %dma_start3A_93 = tpu.memref_slice %arg2[%add3A_88, %dma_start3A_92] : memref<20000x128xf32, #tpu.memory_space<hbm>> -> memref<16x128xf32, #tpu.memory_space<hbm>>
        tpu.enqueue_dma source(%dma_start3A_93 : memref<16x128xf32, #tpu.memory_space<hbm>>) target(%dma_start3A_91 : memref<16x128xf32, #tpu.memory_space<vmem_shared>>) target_semaphore(%run_scoped3A : memref<!tpu.dma_semaphore, #tpu.memory_space<semaphore_mem>>)
        %dma_wait3A = arith.constant 9984 : i32
        %dma_wait3A_94 = arith.constant 0 : i32
        %dma_wait3A_95 = tpu.memref_slice %arg12[%dma_wait3A, %dma_wait3A_94] : memref<10008x128xf32, #tpu.memory_space<vmem_shared>> -> memref<16x128xf32, #tpu.memory_space<vmem_shared>>
        %dma_wait3A_96 = arith.constant 0 : i32
        %dma_wait3A_97 = tpu.memref_slice %arg2[%add3A_88, %dma_wait3A_96] : memref<20000x128xf32, #tpu.memory_space<hbm>> -> memref<16x128xf32, #tpu.memory_space<hbm>>
        tpu.wait_dma2 semaphore(%run_scoped3A : memref<!tpu.dma_semaphore, #tpu.memory_space<semaphore_mem>>) src(%dma_wait3A_97 : memref<16x128xf32, #tpu.memory_space<hbm>>) dst(%dma_wait3A_95 : memref<16x128xf32, #tpu.memory_space<vmem_shared>>)
        tpu.yield
      }) : () -> ()
    } else {
    }
    %mul3A_8 = arith.constant 10192 : i32
    %mul3A_9 = arith.muli %add3A, %mul3A_8 : i32
    "tpu.region"() ({
      %run_scoped3A = tpu.sem_alloc : memref<!tpu.dma_semaphore, #tpu.memory_space<semaphore_mem>>
      %dma_start3A_85 = tpu.memref_slice %arg3[%mul3A_9] : memref<326144xi32, #tpu.memory_space<hbm>> -> memref<10192xi32, #tpu.memory_space<hbm>>
      %dma_start3A_86 = tpu.memref_slice %arg3[%mul3A_9] : memref<326144xi32, #tpu.memory_space<hbm>> -> memref<10192xi32, #tpu.memory_space<hbm>>
      tpu.enqueue_dma source(%dma_start3A_86 : memref<10192xi32, #tpu.memory_space<hbm>>) target(%arg8 : memref<10192xi32, #tpu.memory_space<vmem>>) target_semaphore(%run_scoped3A : memref<!tpu.dma_semaphore, #tpu.memory_space<semaphore_mem>>)
      %dma_wait3A = tpu.memref_slice %arg3[%mul3A_9] : memref<326144xi32, #tpu.memory_space<hbm>> -> memref<10192xi32, #tpu.memory_space<hbm>>
      %dma_wait3A_87 = tpu.memref_slice %arg3[%mul3A_9] : memref<326144xi32, #tpu.memory_space<hbm>> -> memref<10192xi32, #tpu.memory_space<hbm>>
      tpu.wait_dma2 semaphore(%run_scoped3A : memref<!tpu.dma_semaphore, #tpu.memory_space<semaphore_mem>>) src(%dma_wait3A_87 : memref<10192xi32, #tpu.memory_space<hbm>>) dst(%arg8 : memref<10192xi32, #tpu.memory_space<vmem>>)
      tpu.yield
    }) : () -> ()
    "tpu.region"() ({
      %run_scoped3A = tpu.sem_alloc : memref<!tpu.dma_semaphore, #tpu.memory_space<semaphore_mem>>
      %dma_start3A_85 = arith.constant 0 : i32
      %dma_start3A_86 = arith.constant 0 : i32
      %dma_start3A_87 = tpu.memref_slice %arg4[%arg1, %dma_start3A_85, %dma_start3A_86] : memref<16x98x104xi32, #tpu.memory_space<hbm>> -> memref<1x98x104xi32, #tpu.memory_space<hbm>>
      %dma_start3A_88 = tpu.memref_squeeze %dma_start3A_87 : memref<1x98x104xi32, #tpu.memory_space<hbm>> -> memref<98x104xi32, #tpu.memory_space<hbm>>
      %dma_start3A_89 = arith.constant 0 : i32
      %dma_start3A_90 = arith.constant 0 : i32
      %dma_start3A_91 = tpu.memref_slice %arg4[%arg1, %dma_start3A_89, %dma_start3A_90] : memref<16x98x104xi32, #tpu.memory_space<hbm>> -> memref<1x98x104xi32, #tpu.memory_space<hbm>>
      %dma_start3A_92 = tpu.memref_squeeze %dma_start3A_91 : memref<1x98x104xi32, #tpu.memory_space<hbm>> -> memref<98x104xi32, #tpu.memory_space<hbm>>
      tpu.enqueue_dma source(%dma_start3A_92 : memref<98x104xi32, #tpu.memory_space<hbm>>) target(%arg9 : memref<98x104xi32, #tpu.memory_space<vmem>>) target_semaphore(%run_scoped3A : memref<!tpu.dma_semaphore, #tpu.memory_space<semaphore_mem>>)
      %dma_wait3A = arith.constant 0 : i32
      %dma_wait3A_93 = arith.constant 0 : i32
      %dma_wait3A_94 = tpu.memref_slice %arg4[%arg1, %dma_wait3A, %dma_wait3A_93] : memref<16x98x104xi32, #tpu.memory_space<hbm>> -> memref<1x98x104xi32, #tpu.memory_space<hbm>>
      %dma_wait3A_95 = tpu.memref_squeeze %dma_wait3A_94 : memref<1x98x104xi32, #tpu.memory_space<hbm>> -> memref<98x104xi32, #tpu.memory_space<hbm>>
      %dma_wait3A_96 = arith.constant 0 : i32
      %dma_wait3A_97 = arith.constant 0 : i32
      %dma_wait3A_98 = tpu.memref_slice %arg4[%arg1, %dma_wait3A_96, %dma_wait3A_97] : memref<16x98x104xi32, #tpu.memory_space<hbm>> -> memref<1x98x104xi32, #tpu.memory_space<hbm>>
      %dma_wait3A_99 = tpu.memref_squeeze %dma_wait3A_98 : memref<1x98x104xi32, #tpu.memory_space<hbm>> -> memref<98x104xi32, #tpu.memory_space<hbm>>
      tpu.wait_dma2 semaphore(%run_scoped3A : memref<!tpu.dma_semaphore, #tpu.memory_space<semaphore_mem>>) src(%dma_wait3A_99 : memref<98x104xi32, #tpu.memory_space<hbm>>) dst(%arg9 : memref<98x104xi32, #tpu.memory_space<vmem>>)
      tpu.yield
    }) : () -> ()
    %barrier3A = arith.constant 0 : index
    tpu.barrier barrier_id(%barrier3A)
    %dma_start3A = arith.constant 0 : i32
    %dma_start3A_10 = tpu.memref_slice %arg8[%dma_start3A] : memref<10192xi32, #tpu.memory_space<vmem>> -> memref<104xi32, #tpu.memory_space<vmem>>
    %dma_start3A_11 = arith.constant 0 : i32
    %dma_start3A_12 = arith.constant 0 : i32
    %dma_start3A_13 = tpu.memref_slice %arg2[%dma_start3A_11, %dma_start3A_12] : memref<20000x128xf32, #tpu.memory_space<hbm>> -> memref<20000x128xf32, #tpu.memory_space<hbm>>
    tpu.enqueue_indirect_dma source(%dma_start3A_13 : memref<20000x128xf32, #tpu.memory_space<hbm>>) target(%arg10 : memref<104x128xf32, #tpu.memory_space<vmem>>) offsets(%dma_start3A_10 : memref<104xi32, #tpu.memory_space<vmem>>) semaphore(%arg13 : memref<!tpu.dma_semaphore, #tpu.memory_space<semaphore_mem>>)
    %dma_start3A_14 = arith.constant 104 : i32
    %dma_start3A_15 = tpu.memref_slice %arg8[%dma_start3A_14] : memref<10192xi32, #tpu.memory_space<vmem>> -> memref<104xi32, #tpu.memory_space<vmem>>
    %dma_start3A_16 = arith.constant 0 : i32
    %dma_start3A_17 = arith.constant 0 : i32
    %dma_start3A_18 = tpu.memref_slice %arg2[%dma_start3A_16, %dma_start3A_17] : memref<20000x128xf32, #tpu.memory_space<hbm>> -> memref<20000x128xf32, #tpu.memory_space<hbm>>
    tpu.enqueue_indirect_dma source(%dma_start3A_18 : memref<20000x128xf32, #tpu.memory_space<hbm>>) target(%arg11 : memref<104x128xf32, #tpu.memory_space<vmem>>) offsets(%dma_start3A_15 : memref<104xi32, #tpu.memory_space<vmem>>) semaphore(%arg14 : memref<!tpu.dma_semaphore, #tpu.memory_space<semaphore_mem>>)
    %scan3A = arith.constant 0 : i32
    %scan3A_19 = arith.constant 0 : i32
    %scan3A_20 = arith.constant 49 : i32
    %scan3A_21 = arith.addi %scan3A_19, %scan3A_20 : i32
    %scan3A_22 = arith.constant 1 : i32
    scf.for %scan3A_85 = %scan3A_19 to %scan3A_21 step %scan3A_22  : i32 {
      %mul3A_86 = arith.constant 2 : i32
      %mul3A_87 = arith.muli %mul3A_86, %scan3A_85 : i32
      %add3A_88 = arith.constant 1 : i32
      %add3A_89 = arith.addi %mul3A_87, %add3A_88 : i32
      %mul3A_90 = arith.constant 104 : i32
      %mul3A_91 = arith.muli %mul3A_87, %mul3A_90 : i32
      %dma_wait3A = tpu.memref_slice %arg8[%mul3A_91] : memref<10192xi32, #tpu.memory_space<vmem>> -> memref<104xi32, #tpu.memory_space<vmem>>
      %dma_wait3A_92 = arith.constant 0 : i32
      %dma_wait3A_93 = arith.constant 0 : i32
      %dma_wait3A_94 = tpu.memref_slice %arg2[%dma_wait3A_92, %dma_wait3A_93] : memref<20000x128xf32, #tpu.memory_space<hbm>> -> memref<20000x128xf32, #tpu.memory_space<hbm>>
      tpu.wait_indirect_dma semaphore(%arg13 : memref<!tpu.dma_semaphore, #tpu.memory_space<semaphore_mem>>) src(%dma_wait3A_94 : memref<20000x128xf32, #tpu.memory_space<hbm>>) dst(%arg10 : memref<104x128xf32, #tpu.memory_space<vmem>>)
      %dma_start3A_95 = arith.constant 0 : i32
      %dma_start3A_96 = tpu.memref_slice %arg9[%mul3A_87, %dma_start3A_95] : memref<98x104xi32, #tpu.memory_space<vmem>> -> memref<1x104xi32, #tpu.memory_space<vmem>>
      %dma_start3A_97 = tpu.memref_squeeze %dma_start3A_96 : memref<1x104xi32, #tpu.memory_space<vmem>> -> memref<104xi32, #tpu.memory_space<vmem>>
      %dma_start3A_98 = arith.constant 0 : i32
      %dma_start3A_99 = arith.constant 0 : i32
      %dma_start3A_100 = tpu.memref_slice %arg12[%dma_start3A_98, %dma_start3A_99] : memref<10008x128xf32, #tpu.memory_space<vmem_shared>> -> memref<10008x128xf32, #tpu.memory_space<vmem_shared>>
      tpu.enqueue_indirect_dma source(%arg10 : memref<104x128xf32, #tpu.memory_space<vmem>>) target(%dma_start3A_100 : memref<10008x128xf32, #tpu.memory_space<vmem_shared>>) offsets(%dma_start3A_97 : memref<104xi32, #tpu.memory_space<vmem>>) semaphore(%arg15 : memref<!tpu.dma_semaphore, #tpu.memory_space<semaphore_mem>>) {add = true}
      %dma_wait3A_101 = arith.constant 0 : i32
      %dma_wait3A_102 = tpu.memref_slice %arg9[%mul3A_87, %dma_wait3A_101] : memref<98x104xi32, #tpu.memory_space<vmem>> -> memref<1x104xi32, #tpu.memory_space<vmem>>
      %dma_wait3A_103 = tpu.memref_squeeze %dma_wait3A_102 : memref<1x104xi32, #tpu.memory_space<vmem>> -> memref<104xi32, #tpu.memory_space<vmem>>
      %dma_wait3A_104 = arith.constant 0 : i32
      %dma_wait3A_105 = arith.constant 0 : i32
      %dma_wait3A_106 = tpu.memref_slice %arg12[%dma_wait3A_104, %dma_wait3A_105] : memref<10008x128xf32, #tpu.memory_space<vmem_shared>> -> memref<10008x128xf32, #tpu.memory_space<vmem_shared>>
      tpu.wait_indirect_dma semaphore(%arg15 : memref<!tpu.dma_semaphore, #tpu.memory_space<semaphore_mem>>) src(%arg10 : memref<104x128xf32, #tpu.memory_space<vmem>>) dst(%dma_wait3A_106 : memref<10008x128xf32, #tpu.memory_space<vmem_shared>>)
      %add3A_107 = arith.constant 2 : i32
      %add3A_108 = arith.addi %mul3A_87, %add3A_107 : i32
      %lt3A = arith.constant 98 : i32
      %lt3A_109 = arith.cmpi slt, %add3A_108, %lt3A : i32
      %convert_element_type3A_110 = arith.extui %lt3A_109 : i1 to i32
      %cond3A_111 = arith.constant 0 : i32
      %cond3A_112 = arith.cmpi ne, %convert_element_type3A_110, %cond3A_111 : i32
      scf.if %cond3A_112 {
        %add3A_138 = arith.constant 2 : i32
        %add3A_139 = arith.addi %mul3A_87, %add3A_138 : i32
        %mul3A_140 = arith.constant 104 : i32
        %mul3A_141 = arith.muli %add3A_139, %mul3A_140 : i32
        %dma_start3A_142 = tpu.memref_slice %arg8[%mul3A_141] : memref<10192xi32, #tpu.memory_space<vmem>> -> memref<104xi32, #tpu.memory_space<vmem>>
        %dma_start3A_143 = arith.constant 0 : i32
        %dma_start3A_144 = arith.constant 0 : i32
        %dma_start3A_145 = tpu.memref_slice %arg2[%dma_start3A_143, %dma_start3A_144] : memref<20000x128xf32, #tpu.memory_space<hbm>> -> memref<20000x128xf32, #tpu.memory_space<hbm>>
        tpu.enqueue_indirect_dma source(%dma_start3A_145 : memref<20000x128xf32, #tpu.memory_space<hbm>>) target(%arg10 : memref<104x128xf32, #tpu.memory_space<vmem>>) offsets(%dma_start3A_142 : memref<104xi32, #tpu.memory_space<vmem>>) semaphore(%arg13 : memref<!tpu.dma_semaphore, #tpu.memory_space<semaphore_mem>>)
      } else {
      }
      %mul3A_113 = arith.constant 104 : i32
      %mul3A_114 = arith.muli %add3A_89, %mul3A_113 : i32
      %dma_wait3A_115 = tpu.memref_slice %arg8[%mul3A_114] : memref<10192xi32, #tpu.memory_space<vmem>> -> memref<104xi32, #tpu.memory_space<vmem>>
      %dma_wait3A_116 = arith.constant 0 : i32
      %dma_wait3A_117 = arith.constant 0 : i32
      %dma_wait3A_118 = tpu.memref_slice %arg2[%dma_wait3A_116, %dma_wait3A_117] : memref<20000x128xf32, #tpu.memory_space<hbm>> -> memref<20000x128xf32, #tpu.memory_space<hbm>>
      tpu.wait_indirect_dma semaphore(%arg14 : memref<!tpu.dma_semaphore, #tpu.memory_space<semaphore_mem>>) src(%dma_wait3A_118 : memref<20000x128xf32, #tpu.memory_space<hbm>>) dst(%arg11 : memref<104x128xf32, #tpu.memory_space<vmem>>)
      %dma_start3A_119 = arith.constant 0 : i32
      %dma_start3A_120 = tpu.memref_slice %arg9[%add3A_89, %dma_start3A_119] : memref<98x104xi32, #tpu.memory_space<vmem>> -> memref<1x104xi32, #tpu.memory_space<vmem>>
      %dma_start3A_121 = tpu.memref_squeeze %dma_start3A_120 : memref<1x104xi32, #tpu.memory_space<vmem>> -> memref<104xi32, #tpu.memory_space<vmem>>
      %dma_start3A_122 = arith.constant 0 : i32
      %dma_start3A_123 = arith.constant 0 : i32
      %dma_start3A_124 = tpu.memref_slice %arg12[%dma_start3A_122, %dma_start3A_123] : memref<10008x128xf32, #tpu.memory_space<vmem_shared>> -> memref<10008x128xf32, #tpu.memory_space<vmem_shared>>
      tpu.enqueue_indirect_dma source(%arg11 : memref<104x128xf32, #tpu.memory_space<vmem>>) target(%dma_start3A_124 : memref<10008x128xf32, #tpu.memory_space<vmem_shared>>) offsets(%dma_start3A_121 : memref<104xi32, #tpu.memory_space<vmem>>) semaphore(%arg16 : memref<!tpu.dma_semaphore, #tpu.memory_space<semaphore_mem>>) {add = true}
      %dma_wait3A_125 = arith.constant 0 : i32
      %dma_wait3A_126 = tpu.memref_slice %arg9[%add3A_89, %dma_wait3A_125] : memref<98x104xi32, #tpu.memory_space<vmem>> -> memref<1x104xi32, #tpu.memory_space<vmem>>
      %dma_wait3A_127 = tpu.memref_squeeze %dma_wait3A_126 : memref<1x104xi32, #tpu.memory_space<vmem>> -> memref<104xi32, #tpu.memory_space<vmem>>
      %dma_wait3A_128 = arith.constant 0 : i32
      %dma_wait3A_129 = arith.constant 0 : i32
      %dma_wait3A_130 = tpu.memref_slice %arg12[%dma_wait3A_128, %dma_wait3A_129] : memref<10008x128xf32, #tpu.memory_space<vmem_shared>> -> memref<10008x128xf32, #tpu.memory_space<vmem_shared>>
      tpu.wait_indirect_dma semaphore(%arg16 : memref<!tpu.dma_semaphore, #tpu.memory_space<semaphore_mem>>) src(%arg11 : memref<104x128xf32, #tpu.memory_space<vmem>>) dst(%dma_wait3A_130 : memref<10008x128xf32, #tpu.memory_space<vmem_shared>>)
      %add3A_131 = arith.constant 2 : i32
      %add3A_132 = arith.addi %add3A_89, %add3A_131 : i32
      %lt3A_133 = arith.constant 98 : i32
      %lt3A_134 = arith.cmpi slt, %add3A_132, %lt3A_133 : i32
      %convert_element_type3A_135 = arith.extui %lt3A_134 : i1 to i32
      %cond3A_136 = arith.constant 0 : i32
      %cond3A_137 = arith.cmpi ne, %convert_element_type3A_135, %cond3A_136 : i32
      scf.if %cond3A_137 {
        %add3A_138 = arith.constant 2 : i32
        %add3A_139 = arith.addi %add3A_89, %add3A_138 : i32
        %mul3A_140 = arith.constant 104 : i32
        %mul3A_141 = arith.muli %add3A_139, %mul3A_140 : i32
        %dma_start3A_142 = tpu.memref_slice %arg8[%mul3A_141] : memref<10192xi32, #tpu.memory_space<vmem>> -> memref<104xi32, #tpu.memory_space<vmem>>
        %dma_start3A_143 = arith.constant 0 : i32
        %dma_start3A_144 = arith.constant 0 : i32
        %dma_start3A_145 = tpu.memref_slice %arg2[%dma_start3A_143, %dma_start3A_144] : memref<20000x128xf32, #tpu.memory_space<hbm>> -> memref<20000x128xf32, #tpu.memory_space<hbm>>
        tpu.enqueue_indirect_dma source(%dma_start3A_145 : memref<20000x128xf32, #tpu.memory_space<hbm>>) target(%arg11 : memref<104x128xf32, #tpu.memory_space<vmem>>) offsets(%dma_start3A_142 : memref<104xi32, #tpu.memory_space<vmem>>) semaphore(%arg14 : memref<!tpu.dma_semaphore, #tpu.memory_space<semaphore_mem>>)
      } else {
      }
    }
    %scan3A_23 = arith.constant 49 : i32
    %barrier3A_24 = arith.constant 0 : index
    tpu.barrier barrier_id(%barrier3A_24)
    %mul3A_25 = arith.constant 10000 : i32
    %mul3A_26 = arith.muli %arg0, %mul3A_25 : i32
    %add3A_27 = arith.addi %mul3A_26, %mul3A_0 : i32
    "tpu.region"() ({
      %run_scoped3A = tpu.sem_alloc : memref<!tpu.dma_semaphore, #tpu.memory_space<semaphore_mem>>
      %dma_start3A_85 = arith.constant 0 : i32
      %dma_start3A_86 = tpu.memref_slice %arg5[%add3A_27, %dma_start3A_85] : memref<20000x128xf32, #tpu.memory_space<hbm>> -> memref<624x128xf32, #tpu.memory_space<hbm>>
      %dma_start3A_87 = arith.constant 0 : i32
      %dma_start3A_88 = tpu.memref_slice %arg12[%mul3A_0, %dma_start3A_87] : memref<10008x128xf32, #tpu.memory_space<vmem_shared>> -> memref<624x128xf32, #tpu.memory_space<vmem_shared>>
      tpu.enqueue_dma source(%dma_start3A_88 : memref<624x128xf32, #tpu.memory_space<vmem_shared>>) target(%dma_start3A_86 : memref<624x128xf32, #tpu.memory_space<hbm>>) target_semaphore(%run_scoped3A : memref<!tpu.dma_semaphore, #tpu.memory_space<semaphore_mem>>)
      %dma_wait3A = arith.constant 0 : i32
      %dma_wait3A_89 = tpu.memref_slice %arg5[%add3A_27, %dma_wait3A] : memref<20000x128xf32, #tpu.memory_space<hbm>> -> memref<624x128xf32, #tpu.memory_space<hbm>>
      %dma_wait3A_90 = arith.constant 0 : i32
      %dma_wait3A_91 = tpu.memref_slice %arg12[%mul3A_0, %dma_wait3A_90] : memref<10008x128xf32, #tpu.memory_space<vmem_shared>> -> memref<624x128xf32, #tpu.memory_space<vmem_shared>>
      tpu.wait_dma2 semaphore(%run_scoped3A : memref<!tpu.dma_semaphore, #tpu.memory_space<semaphore_mem>>) src(%dma_wait3A_91 : memref<624x128xf32, #tpu.memory_space<vmem_shared>>) dst(%dma_wait3A_89 : memref<624x128xf32, #tpu.memory_space<hbm>>)
      tpu.yield
    }) : () -> ()
    %eq3A_28 = arith.constant 15 : i32
    %eq3A_29 = arith.cmpi eq, %arg1, %eq3A_28 : i32
    %convert_element_type3A_30 = arith.extui %eq3A_29 : i1 to i32
    %cond3A_31 = arith.constant 0 : i32
    %cond3A_32 = arith.cmpi ne, %convert_element_type3A_30, %cond3A_31 : i32
    scf.if %cond3A_32 {
      %mul3A_85 = arith.constant 10000 : i32
      %mul3A_86 = arith.muli %arg0, %mul3A_85 : i32
      %add3A_87 = arith.constant 9984 : i32
      %add3A_88 = arith.addi %mul3A_86, %add3A_87 : i32
      "tpu.region"() ({
        %run_scoped3A = tpu.sem_alloc : memref<!tpu.dma_semaphore, #tpu.memory_space<semaphore_mem>>
        %dma_start3A_89 = arith.constant 0 : i32
        %dma_start3A_90 = tpu.memref_slice %arg5[%add3A_88, %dma_start3A_89] : memref<20000x128xf32, #tpu.memory_space<hbm>> -> memref<16x128xf32, #tpu.memory_space<hbm>>
        %dma_start3A_91 = arith.constant 9984 : i32
        %dma_start3A_92 = arith.constant 0 : i32
        %dma_start3A_93 = tpu.memref_slice %arg12[%dma_start3A_91, %dma_start3A_92] : memref<10008x128xf32, #tpu.memory_space<vmem_shared>> -> memref<16x128xf32, #tpu.memory_space<vmem_shared>>
        tpu.enqueue_dma source(%dma_start3A_93 : memref<16x128xf32, #tpu.memory_space<vmem_shared>>) target(%dma_start3A_90 : memref<16x128xf32, #tpu.memory_space<hbm>>) target_semaphore(%run_scoped3A : memref<!tpu.dma_semaphore, #tpu.memory_space<semaphore_mem>>)
        %dma_wait3A = arith.constant 0 : i32
        %dma_wait3A_94 = tpu.memref_slice %arg5[%add3A_88, %dma_wait3A] : memref<20000x128xf32, #tpu.memory_space<hbm>> -> memref<16x128xf32, #tpu.memory_space<hbm>>
        %dma_wait3A_95 = arith.constant 9984 : i32
        %dma_wait3A_96 = arith.constant 0 : i32
        %dma_wait3A_97 = tpu.memref_slice %arg12[%dma_wait3A_95, %dma_wait3A_96] : memref<10008x128xf32, #tpu.memory_space<vmem_shared>> -> memref<16x128xf32, #tpu.memory_space<vmem_shared>>
        tpu.wait_dma2 semaphore(%run_scoped3A : memref<!tpu.dma_semaphore, #tpu.memory_space<semaphore_mem>>) src(%dma_wait3A_97 : memref<16x128xf32, #tpu.memory_space<vmem_shared>>) dst(%dma_wait3A_94 : memref<16x128xf32, #tpu.memory_space<hbm>>)
        tpu.yield
      }) : () -> ()
    } else {
    }
    %barrier3A_33 = arith.constant 0 : index
    tpu.barrier barrier_id(%barrier3A_33)
    %dma_start3A_34 = arith.constant 0 : i32
    %dma_start3A_35 = tpu.memref_slice %arg8[%dma_start3A_34] : memref<10192xi32, #tpu.memory_space<vmem>> -> memref<104xi32, #tpu.memory_space<vmem>>
    %dma_start3A_36 = arith.constant 0 : i32
    %dma_start3A_37 = arith.constant 0 : i32
    %dma_start3A_38 = tpu.memref_slice %arg5[%dma_start3A_36, %dma_start3A_37] : memref<20000x128xf32, #tpu.memory_space<hbm>> -> memref<20000x128xf32, #tpu.memory_space<hbm>>
    tpu.enqueue_indirect_dma source(%dma_start3A_38 : memref<20000x128xf32, #tpu.memory_space<hbm>>) target(%arg10 : memref<104x128xf32, #tpu.memory_space<vmem>>) offsets(%dma_start3A_35 : memref<104xi32, #tpu.memory_space<vmem>>) semaphore(%arg13 : memref<!tpu.dma_semaphore, #tpu.memory_space<semaphore_mem>>)
    %dma_start3A_39 = arith.constant 104 : i32
    %dma_start3A_40 = tpu.memref_slice %arg8[%dma_start3A_39] : memref<10192xi32, #tpu.memory_space<vmem>> -> memref<104xi32, #tpu.memory_space<vmem>>
    %dma_start3A_41 = arith.constant 0 : i32
    %dma_start3A_42 = arith.constant 0 : i32
    %dma_start3A_43 = tpu.memref_slice %arg5[%dma_start3A_41, %dma_start3A_42] : memref<20000x128xf32, #tpu.memory_space<hbm>> -> memref<20000x128xf32, #tpu.memory_space<hbm>>
    tpu.enqueue_indirect_dma source(%dma_start3A_43 : memref<20000x128xf32, #tpu.memory_space<hbm>>) target(%arg11 : memref<104x128xf32, #tpu.memory_space<vmem>>) offsets(%dma_start3A_40 : memref<104xi32, #tpu.memory_space<vmem>>) semaphore(%arg14 : memref<!tpu.dma_semaphore, #tpu.memory_space<semaphore_mem>>)
    %scan3A_44 = arith.constant 0 : i32
    %scan3A_45 = arith.constant 0 : i32
    %scan3A_46 = arith.constant 49 : i32
    %scan3A_47 = arith.addi %scan3A_45, %scan3A_46 : i32
    %scan3A_48 = arith.constant 1 : i32
    scf.for %scan3A_85 = %scan3A_45 to %scan3A_47 step %scan3A_48  : i32 {
      %mul3A_86 = arith.constant 2 : i32
      %mul3A_87 = arith.muli %mul3A_86, %scan3A_85 : i32
      %add3A_88 = arith.constant 1 : i32
      %add3A_89 = arith.addi %mul3A_87, %add3A_88 : i32
      %mul3A_90 = arith.constant 104 : i32
      %mul3A_91 = arith.muli %mul3A_87, %mul3A_90 : i32
      %dma_wait3A = tpu.memref_slice %arg8[%mul3A_91] : memref<10192xi32, #tpu.memory_space<vmem>> -> memref<104xi32, #tpu.memory_space<vmem>>
      %dma_wait3A_92 = arith.constant 0 : i32
      %dma_wait3A_93 = arith.constant 0 : i32
      %dma_wait3A_94 = tpu.memref_slice %arg5[%dma_wait3A_92, %dma_wait3A_93] : memref<20000x128xf32, #tpu.memory_space<hbm>> -> memref<20000x128xf32, #tpu.memory_space<hbm>>
      tpu.wait_indirect_dma semaphore(%arg13 : memref<!tpu.dma_semaphore, #tpu.memory_space<semaphore_mem>>) src(%dma_wait3A_94 : memref<20000x128xf32, #tpu.memory_space<hbm>>) dst(%arg10 : memref<104x128xf32, #tpu.memory_space<vmem>>)
      %dma_start3A_95 = arith.constant 0 : i32
      %dma_start3A_96 = tpu.memref_slice %arg9[%mul3A_87, %dma_start3A_95] : memref<98x104xi32, #tpu.memory_space<vmem>> -> memref<1x104xi32, #tpu.memory_space<vmem>>
      %dma_start3A_97 = tpu.memref_squeeze %dma_start3A_96 : memref<1x104xi32, #tpu.memory_space<vmem>> -> memref<104xi32, #tpu.memory_space<vmem>>
      %dma_start3A_98 = arith.constant 0 : i32
      %dma_start3A_99 = arith.constant 0 : i32
      %dma_start3A_100 = tpu.memref_slice %arg12[%dma_start3A_98, %dma_start3A_99] : memref<10008x128xf32, #tpu.memory_space<vmem_shared>> -> memref<10008x128xf32, #tpu.memory_space<vmem_shared>>
      tpu.enqueue_indirect_dma source(%arg10 : memref<104x128xf32, #tpu.memory_space<vmem>>) target(%dma_start3A_100 : memref<10008x128xf32, #tpu.memory_space<vmem_shared>>) offsets(%dma_start3A_97 : memref<104xi32, #tpu.memory_space<vmem>>) semaphore(%arg15 : memref<!tpu.dma_semaphore, #tpu.memory_space<semaphore_mem>>) {add = true}
      %dma_wait3A_101 = arith.constant 0 : i32
      %dma_wait3A_102 = tpu.memref_slice %arg9[%mul3A_87, %dma_wait3A_101] : memref<98x104xi32, #tpu.memory_space<vmem>> -> memref<1x104xi32, #tpu.memory_space<vmem>>
      %dma_wait3A_103 = tpu.memref_squeeze %dma_wait3A_102 : memref<1x104xi32, #tpu.memory_space<vmem>> -> memref<104xi32, #tpu.memory_space<vmem>>
      %dma_wait3A_104 = arith.constant 0 : i32
      %dma_wait3A_105 = arith.constant 0 : i32
      %dma_wait3A_106 = tpu.memref_slice %arg12[%dma_wait3A_104, %dma_wait3A_105] : memref<10008x128xf32, #tpu.memory_space<vmem_shared>> -> memref<10008x128xf32, #tpu.memory_space<vmem_shared>>
      tpu.wait_indirect_dma semaphore(%arg15 : memref<!tpu.dma_semaphore, #tpu.memory_space<semaphore_mem>>) src(%arg10 : memref<104x128xf32, #tpu.memory_space<vmem>>) dst(%dma_wait3A_106 : memref<10008x128xf32, #tpu.memory_space<vmem_shared>>)
      %add3A_107 = arith.constant 2 : i32
      %add3A_108 = arith.addi %mul3A_87, %add3A_107 : i32
      %lt3A = arith.constant 98 : i32
      %lt3A_109 = arith.cmpi slt, %add3A_108, %lt3A : i32
      %convert_element_type3A_110 = arith.extui %lt3A_109 : i1 to i32
      %cond3A_111 = arith.constant 0 : i32
      %cond3A_112 = arith.cmpi ne, %convert_element_type3A_110, %cond3A_111 : i32
      scf.if %cond3A_112 {
        %add3A_138 = arith.constant 2 : i32
        %add3A_139 = arith.addi %mul3A_87, %add3A_138 : i32
        %mul3A_140 = arith.constant 104 : i32
        %mul3A_141 = arith.muli %add3A_139, %mul3A_140 : i32
        %dma_start3A_142 = tpu.memref_slice %arg8[%mul3A_141] : memref<10192xi32, #tpu.memory_space<vmem>> -> memref<104xi32, #tpu.memory_space<vmem>>
        %dma_start3A_143 = arith.constant 0 : i32
        %dma_start3A_144 = arith.constant 0 : i32
        %dma_start3A_145 = tpu.memref_slice %arg5[%dma_start3A_143, %dma_start3A_144] : memref<20000x128xf32, #tpu.memory_space<hbm>> -> memref<20000x128xf32, #tpu.memory_space<hbm>>
        tpu.enqueue_indirect_dma source(%dma_start3A_145 : memref<20000x128xf32, #tpu.memory_space<hbm>>) target(%arg10 : memref<104x128xf32, #tpu.memory_space<vmem>>) offsets(%dma_start3A_142 : memref<104xi32, #tpu.memory_space<vmem>>) semaphore(%arg13 : memref<!tpu.dma_semaphore, #tpu.memory_space<semaphore_mem>>)
      } else {
      }
      %mul3A_113 = arith.constant 104 : i32
      %mul3A_114 = arith.muli %add3A_89, %mul3A_113 : i32
      %dma_wait3A_115 = tpu.memref_slice %arg8[%mul3A_114] : memref<10192xi32, #tpu.memory_space<vmem>> -> memref<104xi32, #tpu.memory_space<vmem>>
      %dma_wait3A_116 = arith.constant 0 : i32
      %dma_wait3A_117 = arith.constant 0 : i32
      %dma_wait3A_118 = tpu.memref_slice %arg5[%dma_wait3A_116, %dma_wait3A_117] : memref<20000x128xf32, #tpu.memory_space<hbm>> -> memref<20000x128xf32, #tpu.memory_space<hbm>>
      tpu.wait_indirect_dma semaphore(%arg14 : memref<!tpu.dma_semaphore, #tpu.memory_space<semaphore_mem>>) src(%dma_wait3A_118 : memref<20000x128xf32, #tpu.memory_space<hbm>>) dst(%arg11 : memref<104x128xf32, #tpu.memory_space<vmem>>)
      %dma_start3A_119 = arith.constant 0 : i32
      %dma_start3A_120 = tpu.memref_slice %arg9[%add3A_89, %dma_start3A_119] : memref<98x104xi32, #tpu.memory_space<vmem>> -> memref<1x104xi32, #tpu.memory_space<vmem>>
      %dma_start3A_121 = tpu.memref_squeeze %dma_start3A_120 : memref<1x104xi32, #tpu.memory_space<vmem>> -> memref<104xi32, #tpu.memory_space<vmem>>
      %dma_start3A_122 = arith.constant 0 : i32
      %dma_start3A_123 = arith.constant 0 : i32
      %dma_start3A_124 = tpu.memref_slice %arg12[%dma_start3A_122, %dma_start3A_123] : memref<10008x128xf32, #tpu.memory_space<vmem_shared>> -> memref<10008x128xf32, #tpu.memory_space<vmem_shared>>
      tpu.enqueue_indirect_dma source(%arg11 : memref<104x128xf32, #tpu.memory_space<vmem>>) target(%dma_start3A_124 : memref<10008x128xf32, #tpu.memory_space<vmem_shared>>) offsets(%dma_start3A_121 : memref<104xi32, #tpu.memory_space<vmem>>) semaphore(%arg16 : memref<!tpu.dma_semaphore, #tpu.memory_space<semaphore_mem>>) {add = true}
      %dma_wait3A_125 = arith.constant 0 : i32
      %dma_wait3A_126 = tpu.memref_slice %arg9[%add3A_89, %dma_wait3A_125] : memref<98x104xi32, #tpu.memory_space<vmem>> -> memref<1x104xi32, #tpu.memory_space<vmem>>
      %dma_wait3A_127 = tpu.memref_squeeze %dma_wait3A_126 : memref<1x104xi32, #tpu.memory_space<vmem>> -> memref<104xi32, #tpu.memory_space<vmem>>
      %dma_wait3A_128 = arith.constant 0 : i32
      %dma_wait3A_129 = arith.constant 0 : i32
      %dma_wait3A_130 = tpu.memref_slice %arg12[%dma_wait3A_128, %dma_wait3A_129] : memref<10008x128xf32, #tpu.memory_space<vmem_shared>> -> memref<10008x128xf32, #tpu.memory_space<vmem_shared>>
      tpu.wait_indirect_dma semaphore(%arg16 : memref<!tpu.dma_semaphore, #tpu.memory_space<semaphore_mem>>) src(%arg11 : memref<104x128xf32, #tpu.memory_space<vmem>>) dst(%dma_wait3A_130 : memref<10008x128xf32, #tpu.memory_space<vmem_shared>>)
      %add3A_131 = arith.constant 2 : i32
      %add3A_132 = arith.addi %add3A_89, %add3A_131 : i32
      %lt3A_133 = arith.constant 98 : i32
      %lt3A_134 = arith.cmpi slt, %add3A_132, %lt3A_133 : i32
      %convert_element_type3A_135 = arith.extui %lt3A_134 : i1 to i32
      %cond3A_136 = arith.constant 0 : i32
      %cond3A_137 = arith.cmpi ne, %convert_element_type3A_135, %cond3A_136 : i32
      scf.if %cond3A_137 {
        %add3A_138 = arith.constant 2 : i32
        %add3A_139 = arith.addi %add3A_89, %add3A_138 : i32
        %mul3A_140 = arith.constant 104 : i32
        %mul3A_141 = arith.muli %add3A_139, %mul3A_140 : i32
        %dma_start3A_142 = tpu.memref_slice %arg8[%mul3A_141] : memref<10192xi32, #tpu.memory_space<vmem>> -> memref<104xi32, #tpu.memory_space<vmem>>
        %dma_start3A_143 = arith.constant 0 : i32
        %dma_start3A_144 = arith.constant 0 : i32
        %dma_start3A_145 = tpu.memref_slice %arg5[%dma_start3A_143, %dma_start3A_144] : memref<20000x128xf32, #tpu.memory_space<hbm>> -> memref<20000x128xf32, #tpu.memory_space<hbm>>
        tpu.enqueue_indirect_dma source(%dma_start3A_145 : memref<20000x128xf32, #tpu.memory_space<hbm>>) target(%arg11 : memref<104x128xf32, #tpu.memory_space<vmem>>) offsets(%dma_start3A_142 : memref<104xi32, #tpu.memory_space<vmem>>) semaphore(%arg14 : memref<!tpu.dma_semaphore, #tpu.memory_space<semaphore_mem>>)
      } else {
      }
    }
    %scan3A_49 = arith.constant 49 : i32
    %barrier3A_50 = arith.constant 0 : index
    tpu.barrier barrier_id(%barrier3A_50)
    %mul3A_51 = arith.constant 10000 : i32
    %mul3A_52 = arith.muli %arg0, %mul3A_51 : i32
    %add3A_53 = arith.addi %mul3A_52, %mul3A_0 : i32
    "tpu.region"() ({
      %run_scoped3A = tpu.sem_alloc : memref<!tpu.dma_semaphore, #tpu.memory_space<semaphore_mem>>
      %dma_start3A_85 = arith.constant 0 : i32
      %dma_start3A_86 = tpu.memref_slice %arg6[%add3A_53, %dma_start3A_85] : memref<20000x128xf32, #tpu.memory_space<hbm>> -> memref<624x128xf32, #tpu.memory_space<hbm>>
      %dma_start3A_87 = arith.constant 0 : i32
      %dma_start3A_88 = tpu.memref_slice %arg12[%mul3A_0, %dma_start3A_87] : memref<10008x128xf32, #tpu.memory_space<vmem_shared>> -> memref<624x128xf32, #tpu.memory_space<vmem_shared>>
      tpu.enqueue_dma source(%dma_start3A_88 : memref<624x128xf32, #tpu.memory_space<vmem_shared>>) target(%dma_start3A_86 : memref<624x128xf32, #tpu.memory_space<hbm>>) target_semaphore(%run_scoped3A : memref<!tpu.dma_semaphore, #tpu.memory_space<semaphore_mem>>)
      %dma_wait3A = arith.constant 0 : i32
      %dma_wait3A_89 = tpu.memref_slice %arg6[%add3A_53, %dma_wait3A] : memref<20000x128xf32, #tpu.memory_space<hbm>> -> memref<624x128xf32, #tpu.memory_space<hbm>>
      %dma_wait3A_90 = arith.constant 0 : i32
      %dma_wait3A_91 = tpu.memref_slice %arg12[%mul3A_0, %dma_wait3A_90] : memref<10008x128xf32, #tpu.memory_space<vmem_shared>> -> memref<624x128xf32, #tpu.memory_space<vmem_shared>>
      tpu.wait_dma2 semaphore(%run_scoped3A : memref<!tpu.dma_semaphore, #tpu.memory_space<semaphore_mem>>) src(%dma_wait3A_91 : memref<624x128xf32, #tpu.memory_space<vmem_shared>>) dst(%dma_wait3A_89 : memref<624x128xf32, #tpu.memory_space<hbm>>)
      tpu.yield
    }) : () -> ()
    %eq3A_54 = arith.constant 15 : i32
    %eq3A_55 = arith.cmpi eq, %arg1, %eq3A_54 : i32
    %convert_element_type3A_56 = arith.extui %eq3A_55 : i1 to i32
    %cond3A_57 = arith.constant 0 : i32
    %cond3A_58 = arith.cmpi ne, %convert_element_type3A_56, %cond3A_57 : i32
    scf.if %cond3A_58 {
      %mul3A_85 = arith.constant 10000 : i32
      %mul3A_86 = arith.muli %arg0, %mul3A_85 : i32
      %add3A_87 = arith.constant 9984 : i32
      %add3A_88 = arith.addi %mul3A_86, %add3A_87 : i32
      "tpu.region"() ({
        %run_scoped3A = tpu.sem_alloc : memref<!tpu.dma_semaphore, #tpu.memory_space<semaphore_mem>>
        %dma_start3A_89 = arith.constant 0 : i32
        %dma_start3A_90 = tpu.memref_slice %arg6[%add3A_88, %dma_start3A_89] : memref<20000x128xf32, #tpu.memory_space<hbm>> -> memref<16x128xf32, #tpu.memory_space<hbm>>
        %dma_start3A_91 = arith.constant 9984 : i32
        %dma_start3A_92 = arith.constant 0 : i32
        %dma_start3A_93 = tpu.memref_slice %arg12[%dma_start3A_91, %dma_start3A_92] : memref<10008x128xf32, #tpu.memory_space<vmem_shared>> -> memref<16x128xf32, #tpu.memory_space<vmem_shared>>
        tpu.enqueue_dma source(%dma_start3A_93 : memref<16x128xf32, #tpu.memory_space<vmem_shared>>) target(%dma_start3A_90 : memref<16x128xf32, #tpu.memory_space<hbm>>) target_semaphore(%run_scoped3A : memref<!tpu.dma_semaphore, #tpu.memory_space<semaphore_mem>>)
        %dma_wait3A = arith.constant 0 : i32
        %dma_wait3A_94 = tpu.memref_slice %arg6[%add3A_88, %dma_wait3A] : memref<20000x128xf32, #tpu.memory_space<hbm>> -> memref<16x128xf32, #tpu.memory_space<hbm>>
        %dma_wait3A_95 = arith.constant 9984 : i32
        %dma_wait3A_96 = arith.constant 0 : i32
        %dma_wait3A_97 = tpu.memref_slice %arg12[%dma_wait3A_95, %dma_wait3A_96] : memref<10008x128xf32, #tpu.memory_space<vmem_shared>> -> memref<16x128xf32, #tpu.memory_space<vmem_shared>>
        tpu.wait_dma2 semaphore(%run_scoped3A : memref<!tpu.dma_semaphore, #tpu.memory_space<semaphore_mem>>) src(%dma_wait3A_97 : memref<16x128xf32, #tpu.memory_space<vmem_shared>>) dst(%dma_wait3A_94 : memref<16x128xf32, #tpu.memory_space<hbm>>)
        tpu.yield
      }) : () -> ()
    } else {
    }
    %barrier3A_59 = arith.constant 0 : index
    tpu.barrier barrier_id(%barrier3A_59)
    %dma_start3A_60 = arith.constant 0 : i32
    %dma_start3A_61 = tpu.memref_slice %arg8[%dma_start3A_60] : memref<10192xi32, #tpu.memory_space<vmem>> -> memref<104xi32, #tpu.memory_space<vmem>>
    %dma_start3A_62 = arith.constant 0 : i32
    %dma_start3A_63 = arith.constant 0 : i32
    %dma_start3A_64 = tpu.memref_slice %arg6[%dma_start3A_62, %dma_start3A_63] : memref<20000x128xf32, #tpu.memory_space<hbm>> -> memref<20000x128xf32, #tpu.memory_space<hbm>>
    tpu.enqueue_indirect_dma source(%dma_start3A_64 : memref<20000x128xf32, #tpu.memory_space<hbm>>) target(%arg10 : memref<104x128xf32, #tpu.memory_space<vmem>>) offsets(%dma_start3A_61 : memref<104xi32, #tpu.memory_space<vmem>>) semaphore(%arg13 : memref<!tpu.dma_semaphore, #tpu.memory_space<semaphore_mem>>)
    %dma_start3A_65 = arith.constant 104 : i32
    %dma_start3A_66 = tpu.memref_slice %arg8[%dma_start3A_65] : memref<10192xi32, #tpu.memory_space<vmem>> -> memref<104xi32, #tpu.memory_space<vmem>>
    %dma_start3A_67 = arith.constant 0 : i32
    %dma_start3A_68 = arith.constant 0 : i32
    %dma_start3A_69 = tpu.memref_slice %arg6[%dma_start3A_67, %dma_start3A_68] : memref<20000x128xf32, #tpu.memory_space<hbm>> -> memref<20000x128xf32, #tpu.memory_space<hbm>>
    tpu.enqueue_indirect_dma source(%dma_start3A_69 : memref<20000x128xf32, #tpu.memory_space<hbm>>) target(%arg11 : memref<104x128xf32, #tpu.memory_space<vmem>>) offsets(%dma_start3A_66 : memref<104xi32, #tpu.memory_space<vmem>>) semaphore(%arg14 : memref<!tpu.dma_semaphore, #tpu.memory_space<semaphore_mem>>)
    %scan3A_70 = arith.constant 0 : i32
    %scan3A_71 = arith.constant 0 : i32
    %scan3A_72 = arith.constant 49 : i32
    %scan3A_73 = arith.addi %scan3A_71, %scan3A_72 : i32
    %scan3A_74 = arith.constant 1 : i32
    scf.for %scan3A_85 = %scan3A_71 to %scan3A_73 step %scan3A_74  : i32 {
      %mul3A_86 = arith.constant 2 : i32
      %mul3A_87 = arith.muli %mul3A_86, %scan3A_85 : i32
      %add3A_88 = arith.constant 1 : i32
      %add3A_89 = arith.addi %mul3A_87, %add3A_88 : i32
      %mul3A_90 = arith.constant 104 : i32
      %mul3A_91 = arith.muli %mul3A_87, %mul3A_90 : i32
      %dma_wait3A = tpu.memref_slice %arg8[%mul3A_91] : memref<10192xi32, #tpu.memory_space<vmem>> -> memref<104xi32, #tpu.memory_space<vmem>>
      %dma_wait3A_92 = arith.constant 0 : i32
      %dma_wait3A_93 = arith.constant 0 : i32
      %dma_wait3A_94 = tpu.memref_slice %arg6[%dma_wait3A_92, %dma_wait3A_93] : memref<20000x128xf32, #tpu.memory_space<hbm>> -> memref<20000x128xf32, #tpu.memory_space<hbm>>
      tpu.wait_indirect_dma semaphore(%arg13 : memref<!tpu.dma_semaphore, #tpu.memory_space<semaphore_mem>>) src(%dma_wait3A_94 : memref<20000x128xf32, #tpu.memory_space<hbm>>) dst(%arg10 : memref<104x128xf32, #tpu.memory_space<vmem>>)
      %dma_start3A_95 = arith.constant 0 : i32
      %dma_start3A_96 = tpu.memref_slice %arg9[%mul3A_87, %dma_start3A_95] : memref<98x104xi32, #tpu.memory_space<vmem>> -> memref<1x104xi32, #tpu.memory_space<vmem>>
      %dma_start3A_97 = tpu.memref_squeeze %dma_start3A_96 : memref<1x104xi32, #tpu.memory_space<vmem>> -> memref<104xi32, #tpu.memory_space<vmem>>
      %dma_start3A_98 = arith.constant 0 : i32
      %dma_start3A_99 = arith.constant 0 : i32
      %dma_start3A_100 = tpu.memref_slice %arg12[%dma_start3A_98, %dma_start3A_99] : memref<10008x128xf32, #tpu.memory_space<vmem_shared>> -> memref<10008x128xf32, #tpu.memory_space<vmem_shared>>
      tpu.enqueue_indirect_dma source(%arg10 : memref<104x128xf32, #tpu.memory_space<vmem>>) target(%dma_start3A_100 : memref<10008x128xf32, #tpu.memory_space<vmem_shared>>) offsets(%dma_start3A_97 : memref<104xi32, #tpu.memory_space<vmem>>) semaphore(%arg15 : memref<!tpu.dma_semaphore, #tpu.memory_space<semaphore_mem>>) {add = true}
      %dma_wait3A_101 = arith.constant 0 : i32
      %dma_wait3A_102 = tpu.memref_slice %arg9[%mul3A_87, %dma_wait3A_101] : memref<98x104xi32, #tpu.memory_space<vmem>> -> memref<1x104xi32, #tpu.memory_space<vmem>>
      %dma_wait3A_103 = tpu.memref_squeeze %dma_wait3A_102 : memref<1x104xi32, #tpu.memory_space<vmem>> -> memref<104xi32, #tpu.memory_space<vmem>>
      %dma_wait3A_104 = arith.constant 0 : i32
      %dma_wait3A_105 = arith.constant 0 : i32
      %dma_wait3A_106 = tpu.memref_slice %arg12[%dma_wait3A_104, %dma_wait3A_105] : memref<10008x128xf32, #tpu.memory_space<vmem_shared>> -> memref<10008x128xf32, #tpu.memory_space<vmem_shared>>
      tpu.wait_indirect_dma semaphore(%arg15 : memref<!tpu.dma_semaphore, #tpu.memory_space<semaphore_mem>>) src(%arg10 : memref<104x128xf32, #tpu.memory_space<vmem>>) dst(%dma_wait3A_106 : memref<10008x128xf32, #tpu.memory_space<vmem_shared>>)
      %add3A_107 = arith.constant 2 : i32
      %add3A_108 = arith.addi %mul3A_87, %add3A_107 : i32
      %lt3A = arith.constant 98 : i32
      %lt3A_109 = arith.cmpi slt, %add3A_108, %lt3A : i32
      %convert_element_type3A_110 = arith.extui %lt3A_109 : i1 to i32
      %cond3A_111 = arith.constant 0 : i32
      %cond3A_112 = arith.cmpi ne, %convert_element_type3A_110, %cond3A_111 : i32
      scf.if %cond3A_112 {
        %add3A_138 = arith.constant 2 : i32
        %add3A_139 = arith.addi %mul3A_87, %add3A_138 : i32
        %mul3A_140 = arith.constant 104 : i32
        %mul3A_141 = arith.muli %add3A_139, %mul3A_140 : i32
        %dma_start3A_142 = tpu.memref_slice %arg8[%mul3A_141] : memref<10192xi32, #tpu.memory_space<vmem>> -> memref<104xi32, #tpu.memory_space<vmem>>
        %dma_start3A_143 = arith.constant 0 : i32
        %dma_start3A_144 = arith.constant 0 : i32
        %dma_start3A_145 = tpu.memref_slice %arg6[%dma_start3A_143, %dma_start3A_144] : memref<20000x128xf32, #tpu.memory_space<hbm>> -> memref<20000x128xf32, #tpu.memory_space<hbm>>
        tpu.enqueue_indirect_dma source(%dma_start3A_145 : memref<20000x128xf32, #tpu.memory_space<hbm>>) target(%arg10 : memref<104x128xf32, #tpu.memory_space<vmem>>) offsets(%dma_start3A_142 : memref<104xi32, #tpu.memory_space<vmem>>) semaphore(%arg13 : memref<!tpu.dma_semaphore, #tpu.memory_space<semaphore_mem>>)
      } else {
      }
      %mul3A_113 = arith.constant 104 : i32
      %mul3A_114 = arith.muli %add3A_89, %mul3A_113 : i32
      %dma_wait3A_115 = tpu.memref_slice %arg8[%mul3A_114] : memref<10192xi32, #tpu.memory_space<vmem>> -> memref<104xi32, #tpu.memory_space<vmem>>
      %dma_wait3A_116 = arith.constant 0 : i32
      %dma_wait3A_117 = arith.constant 0 : i32
      %dma_wait3A_118 = tpu.memref_slice %arg6[%dma_wait3A_116, %dma_wait3A_117] : memref<20000x128xf32, #tpu.memory_space<hbm>> -> memref<20000x128xf32, #tpu.memory_space<hbm>>
      tpu.wait_indirect_dma semaphore(%arg14 : memref<!tpu.dma_semaphore, #tpu.memory_space<semaphore_mem>>) src(%dma_wait3A_118 : memref<20000x128xf32, #tpu.memory_space<hbm>>) dst(%arg11 : memref<104x128xf32, #tpu.memory_space<vmem>>)
      %dma_start3A_119 = arith.constant 0 : i32
      %dma_start3A_120 = tpu.memref_slice %arg9[%add3A_89, %dma_start3A_119] : memref<98x104xi32, #tpu.memory_space<vmem>> -> memref<1x104xi32, #tpu.memory_space<vmem>>
      %dma_start3A_121 = tpu.memref_squeeze %dma_start3A_120 : memref<1x104xi32, #tpu.memory_space<vmem>> -> memref<104xi32, #tpu.memory_space<vmem>>
      %dma_start3A_122 = arith.constant 0 : i32
      %dma_start3A_123 = arith.constant 0 : i32
      %dma_start3A_124 = tpu.memref_slice %arg12[%dma_start3A_122, %dma_start3A_123] : memref<10008x128xf32, #tpu.memory_space<vmem_shared>> -> memref<10008x128xf32, #tpu.memory_space<vmem_shared>>
      tpu.enqueue_indirect_dma source(%arg11 : memref<104x128xf32, #tpu.memory_space<vmem>>) target(%dma_start3A_124 : memref<10008x128xf32, #tpu.memory_space<vmem_shared>>) offsets(%dma_start3A_121 : memref<104xi32, #tpu.memory_space<vmem>>) semaphore(%arg16 : memref<!tpu.dma_semaphore, #tpu.memory_space<semaphore_mem>>) {add = true}
      %dma_wait3A_125 = arith.constant 0 : i32
      %dma_wait3A_126 = tpu.memref_slice %arg9[%add3A_89, %dma_wait3A_125] : memref<98x104xi32, #tpu.memory_space<vmem>> -> memref<1x104xi32, #tpu.memory_space<vmem>>
      %dma_wait3A_127 = tpu.memref_squeeze %dma_wait3A_126 : memref<1x104xi32, #tpu.memory_space<vmem>> -> memref<104xi32, #tpu.memory_space<vmem>>
      %dma_wait3A_128 = arith.constant 0 : i32
      %dma_wait3A_129 = arith.constant 0 : i32
      %dma_wait3A_130 = tpu.memref_slice %arg12[%dma_wait3A_128, %dma_wait3A_129] : memref<10008x128xf32, #tpu.memory_space<vmem_shared>> -> memref<10008x128xf32, #tpu.memory_space<vmem_shared>>
      tpu.wait_indirect_dma semaphore(%arg16 : memref<!tpu.dma_semaphore, #tpu.memory_space<semaphore_mem>>) src(%arg11 : memref<104x128xf32, #tpu.memory_space<vmem>>) dst(%dma_wait3A_130 : memref<10008x128xf32, #tpu.memory_space<vmem_shared>>)
      %add3A_131 = arith.constant 2 : i32
      %add3A_132 = arith.addi %add3A_89, %add3A_131 : i32
      %lt3A_133 = arith.constant 98 : i32
      %lt3A_134 = arith.cmpi slt, %add3A_132, %lt3A_133 : i32
      %convert_element_type3A_135 = arith.extui %lt3A_134 : i1 to i32
      %cond3A_136 = arith.constant 0 : i32
      %cond3A_137 = arith.cmpi ne, %convert_element_type3A_135, %cond3A_136 : i32
      scf.if %cond3A_137 {
        %add3A_138 = arith.constant 2 : i32
        %add3A_139 = arith.addi %add3A_89, %add3A_138 : i32
        %mul3A_140 = arith.constant 104 : i32
        %mul3A_141 = arith.muli %add3A_139, %mul3A_140 : i32
        %dma_start3A_142 = tpu.memref_slice %arg8[%mul3A_141] : memref<10192xi32, #tpu.memory_space<vmem>> -> memref<104xi32, #tpu.memory_space<vmem>>
        %dma_start3A_143 = arith.constant 0 : i32
        %dma_start3A_144 = arith.constant 0 : i32
        %dma_start3A_145 = tpu.memref_slice %arg6[%dma_start3A_143, %dma_start3A_144] : memref<20000x128xf32, #tpu.memory_space<hbm>> -> memref<20000x128xf32, #tpu.memory_space<hbm>>
        tpu.enqueue_indirect_dma source(%dma_start3A_145 : memref<20000x128xf32, #tpu.memory_space<hbm>>) target(%arg11 : memref<104x128xf32, #tpu.memory_space<vmem>>) offsets(%dma_start3A_142 : memref<104xi32, #tpu.memory_space<vmem>>) semaphore(%arg14 : memref<!tpu.dma_semaphore, #tpu.memory_space<semaphore_mem>>)
      } else {
      }
    }
    %scan3A_75 = arith.constant 49 : i32
    %barrier3A_76 = arith.constant 0 : index
    tpu.barrier barrier_id(%barrier3A_76)
    %mul3A_77 = arith.constant 10000 : i32
    %mul3A_78 = arith.muli %arg0, %mul3A_77 : i32
    %add3A_79 = arith.addi %mul3A_78, %mul3A_0 : i32
    "tpu.region"() ({
      %run_scoped3A = tpu.sem_alloc : memref<!tpu.dma_semaphore, #tpu.memory_space<semaphore_mem>>
      %dma_start3A_85 = arith.constant 0 : i32
      %dma_start3A_86 = tpu.memref_slice %arg7[%add3A_79, %dma_start3A_85] : memref<20000x128xf32, #tpu.memory_space<hbm>> -> memref<624x128xf32, #tpu.memory_space<hbm>>
      %dma_start3A_87 = arith.constant 0 : i32
      %dma_start3A_88 = tpu.memref_slice %arg12[%mul3A_0, %dma_start3A_87] : memref<10008x128xf32, #tpu.memory_space<vmem_shared>> -> memref<624x128xf32, #tpu.memory_space<vmem_shared>>
      tpu.enqueue_dma source(%dma_start3A_88 : memref<624x128xf32, #tpu.memory_space<vmem_shared>>) target(%dma_start3A_86 : memref<624x128xf32, #tpu.memory_space<hbm>>) target_semaphore(%run_scoped3A : memref<!tpu.dma_semaphore, #tpu.memory_space<semaphore_mem>>)
      %dma_wait3A = arith.constant 0 : i32
      %dma_wait3A_89 = tpu.memref_slice %arg7[%add3A_79, %dma_wait3A] : memref<20000x128xf32, #tpu.memory_space<hbm>> -> memref<624x128xf32, #tpu.memory_space<hbm>>
      %dma_wait3A_90 = arith.constant 0 : i32
      %dma_wait3A_91 = tpu.memref_slice %arg12[%mul3A_0, %dma_wait3A_90] : memref<10008x128xf32, #tpu.memory_space<vmem_shared>> -> memref<624x128xf32, #tpu.memory_space<vmem_shared>>
      tpu.wait_dma2 semaphore(%run_scoped3A : memref<!tpu.dma_semaphore, #tpu.memory_space<semaphore_mem>>) src(%dma_wait3A_91 : memref<624x128xf32, #tpu.memory_space<vmem_shared>>) dst(%dma_wait3A_89 : memref<624x128xf32, #tpu.memory_space<hbm>>)
      tpu.yield
    }) : () -> ()
    %eq3A_80 = arith.constant 15 : i32
    %eq3A_81 = arith.cmpi eq, %arg1, %eq3A_80 : i32
    %convert_element_type3A_82 = arith.extui %eq3A_81 : i1 to i32
    %cond3A_83 = arith.constant 0 : i32
    %cond3A_84 = arith.cmpi ne, %convert_element_type3A_82, %cond3A_83 : i32
    scf.if %cond3A_84 {
      %mul3A_85 = arith.constant 10000 : i32
      %mul3A_86 = arith.muli %arg0, %mul3A_85 : i32
      %add3A_87 = arith.constant 9984 : i32
      %add3A_88 = arith.addi %mul3A_86, %add3A_87 : i32
      "tpu.region"() ({
        %run_scoped3A = tpu.sem_alloc : memref<!tpu.dma_semaphore, #tpu.memory_space<semaphore_mem>>
        %dma_start3A_89 = arith.constant 0 : i32
        %dma_start3A_90 = tpu.memref_slice %arg7[%add3A_88, %dma_start3A_89] : memref<20000x128xf32, #tpu.memory_space<hbm>> -> memref<16x128xf32, #tpu.memory_space<hbm>>
        %dma_start3A_91 = arith.constant 9984 : i32
        %dma_start3A_92 = arith.constant 0 : i32
        %dma_start3A_93 = tpu.memref_slice %arg12[%dma_start3A_91, %dma_start3A_92] : memref<10008x128xf32, #tpu.memory_space<vmem_shared>> -> memref<16x128xf32, #tpu.memory_space<vmem_shared>>
        tpu.enqueue_dma source(%dma_start3A_93 : memref<16x128xf32, #tpu.memory_space<vmem_shared>>) target(%dma_start3A_90 : memref<16x128xf32, #tpu.memory_space<hbm>>) target_semaphore(%run_scoped3A : memref<!tpu.dma_semaphore, #tpu.memory_space<semaphore_mem>>)
        %dma_wait3A = arith.constant 0 : i32
        %dma_wait3A_94 = tpu.memref_slice %arg7[%add3A_88, %dma_wait3A] : memref<20000x128xf32, #tpu.memory_space<hbm>> -> memref<16x128xf32, #tpu.memory_space<hbm>>
        %dma_wait3A_95 = arith.constant 9984 : i32
        %dma_wait3A_96 = arith.constant 0 : i32
        %dma_wait3A_97 = tpu.memref_slice %arg12[%dma_wait3A_95, %dma_wait3A_96] : memref<10008x128xf32, #tpu.memory_space<vmem_shared>> -> memref<16x128xf32, #tpu.memory_space<vmem_shared>>
        tpu.wait_dma2 semaphore(%run_scoped3A : memref<!tpu.dma_semaphore, #tpu.memory_space<semaphore_mem>>) src(%dma_wait3A_97 : memref<16x128xf32, #tpu.memory_space<vmem_shared>>) dst(%dma_wait3A_94 : memref<16x128xf32, #tpu.memory_space<hbm>>)
        tpu.yield
      }) : () -> ()
    } else {
    }
    return
  }
}

module attributes {stable_mosaic.version = 14 : i64} {
  func.func @_fw_merge_body(%arg0: i32, %arg1: memref<1000x128xf32, #tpu.memory_space<vmem>>, %arg2: memref<1000x128xf32, #tpu.memory_space<vmem>>, %arg3: memref<4x128x256xf32, #tpu.memory_space<vmem>>, %arg4: memref<1x256xf32, #tpu.memory_space<vmem>>, %arg5: memref<1000x256xf32, #tpu.memory_space<vmem>>) attributes {dimension_semantics = [#tpu.dimension_semantics<arbitrary>], iteration_bounds = array<i64: 10>, scalar_prefetch = 0 : i64, scratch_operands = 0 : i64, tpu.core_type = #tpu.core_type<tc>, window_params = [{transform_indices = @transform_0, window_bounds = array<i64: 1000, 128>}, {transform_indices = @transform_1, window_bounds = array<i64: 1000, 128>}, {pipeline_mode = #tpu.pipeline_mode<synchronous>, transform_indices = @transform_2, window_bounds = array<i64: 4, 128, 256>}, {pipeline_mode = #tpu.pipeline_mode<synchronous>, transform_indices = @transform_3, window_bounds = array<i64: 1, 256>}, {transform_indices = @transform_4, window_bounds = array<i64: 1000, 256>}]} {
    %get3A = arith.constant 0 : index
    %get3A_0 = arith.constant 0 : index
    %get3A_1 = vector.load %arg1[%get3A, %get3A_0] : memref<1000x128xf32, #tpu.memory_space<vmem>>, vector<1000x128xf32>
    %get3A_2 = arith.constant 0 : index
    %get3A_3 = arith.constant 0 : index
    %get3A_4 = arith.constant 0 : index
    %get3A_5 = vector.load %arg3[%get3A_2, %get3A_3, %get3A_4] : memref<4x128x256xf32, #tpu.memory_space<vmem>>, vector<1x128x256xf32>
    %get3A_6 = vector.shape_cast %get3A_5 : vector<1x128x256xf32> to vector<128x256xf32>
    %dot_general3A = arith.constant dense<0.000000e+00> : vector<1000x256xf32>
    %dot_general3A_7 = tpu.matmul %get3A_1, %get3A_6, %dot_general3A {dimension_numbers = #tpu.dot_dimension_numbers<[1], [0], [0], [1], [0, 0, 1, 1], [], []>, transpose_lhs_hint = false} : vector<1000x128xf32>, vector<128x256xf32>, vector<1000x256xf32> -> vector<1000x256xf32>
    %get3A_8 = arith.constant 0 : index
    %get3A_9 = arith.constant 0 : index
    %get3A_10 = vector.load %arg2[%get3A_8, %get3A_9] : memref<1000x128xf32, #tpu.memory_space<vmem>>, vector<1000x128xf32>
    %get3A_11 = arith.constant 1 : index
    %get3A_12 = arith.constant 0 : index
    %get3A_13 = arith.constant 0 : index
    %get3A_14 = vector.load %arg3[%get3A_11, %get3A_12, %get3A_13] : memref<4x128x256xf32, #tpu.memory_space<vmem>>, vector<1x128x256xf32>
    %get3A_15 = vector.shape_cast %get3A_14 : vector<1x128x256xf32> to vector<128x256xf32>
    %dot_general3A_16 = arith.constant dense<0.000000e+00> : vector<1000x256xf32>
    %dot_general3A_17 = tpu.matmul %get3A_10, %get3A_15, %dot_general3A_16 {dimension_numbers = #tpu.dot_dimension_numbers<[1], [0], [0], [1], [0, 0, 1, 1], [], []>, transpose_lhs_hint = false} : vector<1000x128xf32>, vector<128x256xf32>, vector<1000x256xf32> -> vector<1000x256xf32>
    %add3A = arith.addf %dot_general3A_7, %dot_general3A_17 : vector<1000x256xf32>
    %get3A_18 = arith.constant 0 : index
    %get3A_19 = arith.constant 0 : index
    %get3A_20 = vector.load %arg4[%get3A_18, %get3A_19] : memref<1x256xf32, #tpu.memory_space<vmem>>, vector<1x256xf32>
    %add3A_21 = vector.broadcast %get3A_20 : vector<1x256xf32> to vector<1000x256xf32>
    %add3A_22 = arith.addf %add3A, %add3A_21 : vector<1000x256xf32>
    %swap3A = arith.constant 0 : index
    %swap3A_23 = arith.constant 0 : index
    %swap3A_24 = vector.load %arg5[%swap3A, %swap3A_23] : memref<1000x256xf32, #tpu.memory_space<vmem>>, vector<1000x256xf32>
    tpu.vector_store %arg5[%swap3A, %swap3A_23], %add3A_22 {strides = array<i32>} : memref<1000x256xf32, #tpu.memory_space<vmem>>, vector<1000x256xf32>,
    return
  }
  func.func @transform_0(%arg0: i32) -> (i32, i32) {
    %c0_i32 = arith.constant 0 : i32
    %c0_i32_0 = arith.constant 0 : i32
    return %arg0, %c0_i32 : i32, i32
  }
  func.func @transform_1(%arg0: i32) -> (i32, i32) {
    %add3A = arith.constant 10 : i32
    %add3A_0 = arith.addi %arg0, %add3A : i32
    %c0_i32 = arith.constant 0 : i32
    %c0_i32_1 = arith.constant 0 : i32
    return %add3A_0, %c0_i32 : i32, i32
  }
  func.func @transform_2(%arg0: i32) -> (i32, i32, i32) {
    %c0_i32 = arith.constant 0 : i32
    %c0_i32_0 = arith.constant 0 : i32
    %c0_i32_1 = arith.constant 0 : i32
    %c0_i32_2 = arith.constant 0 : i32
    return %c0_i32, %c0_i32_0, %c0_i32_1 : i32, i32, i32
  }
  func.func @transform_3(%arg0: i32) -> (i32, i32) {
    %c0_i32 = arith.constant 0 : i32
    %c0_i32_0 = arith.constant 0 : i32
    %c0_i32_1 = arith.constant 0 : i32
    return %c0_i32, %c0_i32_0 : i32, i32
  }
  func.func @transform_4(%arg0: i32) -> (i32, i32) {
    %c0_i32 = arith.constant 0 : i32
    %c0_i32_0 = arith.constant 0 : i32
    return %arg0, %c0_i32 : i32, i32
  }
}

module attributes {stable_mosaic.version = 14 : i64} {
  func.func @_merge_body(%arg0: i32, %arg1: memref<1000x256xf32, #tpu.memory_space<vmem>>, %arg2: memref<1000x128xf32, #tpu.memory_space<vmem>>, %arg3: memref<1000x128xf32, #tpu.memory_space<vmem>>, %arg4: memref<4x128x256xf32, #tpu.memory_space<vmem>>, %arg5: memref<1000x256xi32, #tpu.memory_space<vmem>>, %arg6: memref<16x256xf32, #tpu.memory_space<vmem>>, %arg7: memref<1000x256xf32, #tpu.memory_space<vmem>>) attributes {dimension_semantics = [#tpu.dimension_semantics<arbitrary>], iteration_bounds = array<i64: 10>, scalar_prefetch = 0 : i64, scratch_operands = 0 : i64, tpu.core_type = #tpu.core_type<tc>, window_params = [{transform_indices = @transform_0, window_bounds = array<i64: 1000, 256>}, {transform_indices = @transform_1, window_bounds = array<i64: 1000, 128>}, {transform_indices = @transform_2, window_bounds = array<i64: 1000, 128>}, {pipeline_mode = #tpu.pipeline_mode<synchronous>, transform_indices = @transform_3, window_bounds = array<i64: 4, 128, 256>}, {transform_indices = @transform_4, window_bounds = array<i64: 1000, 256>}, {pipeline_mode = #tpu.pipeline_mode<synchronous>, transform_indices = @transform_5, window_bounds = array<i64: 16, 256>}, {transform_indices = @transform_6, window_bounds = array<i64: 1000, 256>}]} {
    %get3A = arith.constant 0 : index
    %get3A_0 = arith.constant 0 : index
    %get3A_1 = vector.load %arg1[%get3A, %get3A_0] : memref<1000x256xf32, #tpu.memory_space<vmem>>, vector<1000x256xf32>
    %get3A_2 = arith.constant 0 : index
    %get3A_3 = arith.constant 0 : index
    %get3A_4 = vector.load %arg2[%get3A_2, %get3A_3] : memref<1000x128xf32, #tpu.memory_space<vmem>>, vector<1000x128xf32>
    %get3A_5 = arith.constant 2 : index
    %get3A_6 = arith.constant 0 : index
    %get3A_7 = arith.constant 0 : index
    %get3A_8 = vector.load %arg4[%get3A_5, %get3A_6, %get3A_7] : memref<4x128x256xf32, #tpu.memory_space<vmem>>, vector<1x128x256xf32>
    %get3A_9 = vector.shape_cast %get3A_8 : vector<1x128x256xf32> to vector<128x256xf32>
    %dot_general3A = arith.constant dense<0.000000e+00> : vector<1000x256xf32>
    %dot_general3A_10 = tpu.matmul %get3A_4, %get3A_9, %dot_general3A {dimension_numbers = #tpu.dot_dimension_numbers<[1], [0], [0], [1], [0, 0, 1, 1], [], []>, transpose_lhs_hint = false} : vector<1000x128xf32>, vector<128x256xf32>, vector<1000x256xf32> -> vector<1000x256xf32>
    %add3A = arith.addf %get3A_1, %dot_general3A_10 : vector<1000x256xf32>
    %get3A_11 = arith.constant 0 : index
    %get3A_12 = arith.constant 0 : index
    %get3A_13 = vector.load %arg3[%get3A_11, %get3A_12] : memref<1000x128xf32, #tpu.memory_space<vmem>>, vector<1000x128xf32>
    %get3A_14 = arith.constant 3 : index
    %get3A_15 = arith.constant 0 : index
    %get3A_16 = arith.constant 0 : index
    %get3A_17 = vector.load %arg4[%get3A_14, %get3A_15, %get3A_16] : memref<4x128x256xf32, #tpu.memory_space<vmem>>, vector<1x128x256xf32>
    %get3A_18 = vector.shape_cast %get3A_17 : vector<1x128x256xf32> to vector<128x256xf32>
    %dot_general3A_19 = arith.constant dense<0.000000e+00> : vector<1000x256xf32>
    %dot_general3A_20 = tpu.matmul %get3A_13, %get3A_18, %dot_general3A_19 {dimension_numbers = #tpu.dot_dimension_numbers<[1], [0], [0], [1], [0, 0, 1, 1], [], []>, transpose_lhs_hint = false} : vector<1000x128xf32>, vector<128x256xf32>, vector<1000x256xf32> -> vector<1000x256xf32>
    %add3A_21 = arith.addf %add3A, %dot_general3A_20 : vector<1000x256xf32>
    %swap3A = arith.constant 0 : index
    %swap3A_22 = arith.constant 0 : index
    %swap3A_23 = vector.load %arg7[%swap3A, %swap3A_22] : memref<1000x256xf32, #tpu.memory_space<vmem>>, vector<1000x256xf32>
    tpu.vector_store %arg7[%swap3A, %swap3A_22], %add3A_21 {strides = array<i32>} : memref<1000x256xf32, #tpu.memory_space<vmem>>, vector<1000x256xf32>,
    %eq3A = arith.constant 0 : i32
    %eq3A_24 = arith.cmpi eq, %arg0, %eq3A : i32
    %convert_element_type3A = arith.extui %eq3A_24 : i1 to i32
    %cond3A = arith.constant 0 : i32
    %cond3A_25 = arith.cmpi ne, %convert_element_type3A, %cond3A : i32
    scf.if %cond3A_25 {
      %broadcast_in_dim3A_280 = arith.constant 0xFF800000 : f32
      %broadcast_in_dim3A_281 = vector.broadcast %broadcast_in_dim3A_280 : f32 to vector<16x256xf32>
      %swap3A_282 = arith.constant 0 : index
      %swap3A_283 = arith.constant 0 : index
      %swap3A_284 = vector.load %arg6[%swap3A_282, %swap3A_283] : memref<16x256xf32, #tpu.memory_space<vmem>>, vector<16x256xf32>
      tpu.vector_store %arg6[%swap3A_282, %swap3A_283], %broadcast_in_dim3A_281 {strides = array<i32>} : memref<16x256xf32, #tpu.memory_space<vmem>>, vector<16x256xf32>,
    } else {
    }
    %get3A_26 = arith.constant 0 : index
    %get3A_27 = arith.constant 0 : index
    %get3A_28 = vector.load %arg5[%get3A_26, %get3A_27] : memref<1000x256xi32, #tpu.memory_space<vmem>>, vector<1000x256xi32>
    %eq3A_29 = arith.constant 0 : i32
    %eq3A_30 = vector.broadcast %eq3A_29 : i32 to vector<1000x256xi32>
    %eq3A_31 = arith.cmpi eq, %get3A_28, %eq3A_30 : vector<1000x256xi32>
    %jit3A = arith.constant 0xFF800000 : f32
    %broadcast_in_dim3A = vector.broadcast %jit3A : f32 to vector<1000x256xf32>
    %select_n3A = arith.select %eq3A_31, %add3A_21, %broadcast_in_dim3A : vector<1000x256xi1>, vector<1000x256xf32>
    %reduce_max3A = arith.constant dense<0xFF800000> : vector<256xf32>
    %reduce_max3A_32 = vector.multi_reduction <maximumf>, %select_n3A, %reduce_max3A [0] : vector<1000x256xf32> to vector<256xf32>
    %broadcast_in_dim3A_33 = vector.shape_cast %reduce_max3A_32 : vector<256xf32> to vector<1x256xf32>
    %get3A_34 = arith.constant 0 : index
    %get3A_35 = arith.constant 0 : index
    %get3A_36 = vector.load %arg6[%get3A_34, %get3A_35] : memref<16x256xf32, #tpu.memory_space<vmem>>, vector<1x256xf32>
    %max3A = arith.maximumf %get3A_36, %broadcast_in_dim3A_33 : vector<1x256xf32>
    %swap3A_37 = arith.constant 0 : index
    %swap3A_38 = arith.constant 0 : index
    %swap3A_39 = vector.load %arg6[%swap3A_37, %swap3A_38] : memref<16x256xf32, #tpu.memory_space<vmem>>, vector<1x256xf32>
    tpu.vector_store %arg6[%swap3A_37, %swap3A_38], %max3A {strides = array<i32>} : memref<16x256xf32, #tpu.memory_space<vmem>>, vector<1x256xf32>,
    %eq3A_40 = arith.constant 1 : i32
    %eq3A_41 = vector.broadcast %eq3A_40 : i32 to vector<1000x256xi32>
    %eq3A_42 = arith.cmpi eq, %get3A_28, %eq3A_41 : vector<1000x256xi32>
    %jit3A_43 = arith.constant 0xFF800000 : f32
    %broadcast_in_dim3A_44 = vector.broadcast %jit3A_43 : f32 to vector<1000x256xf32>
    %select_n3A_45 = arith.select %eq3A_42, %add3A_21, %broadcast_in_dim3A_44 : vector<1000x256xi1>, vector<1000x256xf32>
    %reduce_max3A_46 = arith.constant dense<0xFF800000> : vector<256xf32>
    %reduce_max3A_47 = vector.multi_reduction <maximumf>, %select_n3A_45, %reduce_max3A_46 [0] : vector<1000x256xf32> to vector<256xf32>
    %broadcast_in_dim3A_48 = vector.shape_cast %reduce_max3A_47 : vector<256xf32> to vector<1x256xf32>
    %get3A_49 = arith.constant 1 : index
    %get3A_50 = arith.constant 0 : index
    %get3A_51 = vector.load %arg6[%get3A_49, %get3A_50] : memref<16x256xf32, #tpu.memory_space<vmem>>, vector<1x256xf32>
    %max3A_52 = arith.maximumf %get3A_51, %broadcast_in_dim3A_48 : vector<1x256xf32>
    %swap3A_53 = arith.constant 1 : index
    %swap3A_54 = arith.constant 0 : index
    %swap3A_55 = vector.load %arg6[%swap3A_53, %swap3A_54] : memref<16x256xf32, #tpu.memory_space<vmem>>, vector<1x256xf32>
    tpu.vector_store %arg6[%swap3A_53, %swap3A_54], %max3A_52 {strides = array<i32>} : memref<16x256xf32, #tpu.memory_space<vmem>>, vector<1x256xf32>,
    %eq3A_56 = arith.constant 2 : i32
    %eq3A_57 = vector.broadcast %eq3A_56 : i32 to vector<1000x256xi32>
    %eq3A_58 = arith.cmpi eq, %get3A_28, %eq3A_57 : vector<1000x256xi32>
    %jit3A_59 = arith.constant 0xFF800000 : f32
    %broadcast_in_dim3A_60 = vector.broadcast %jit3A_59 : f32 to vector<1000x256xf32>
    %select_n3A_61 = arith.select %eq3A_58, %add3A_21, %broadcast_in_dim3A_60 : vector<1000x256xi1>, vector<1000x256xf32>
    %reduce_max3A_62 = arith.constant dense<0xFF800000> : vector<256xf32>
    %reduce_max3A_63 = vector.multi_reduction <maximumf>, %select_n3A_61, %reduce_max3A_62 [0] : vector<1000x256xf32> to vector<256xf32>
    %broadcast_in_dim3A_64 = vector.shape_cast %reduce_max3A_63 : vector<256xf32> to vector<1x256xf32>
    %get3A_65 = arith.constant 2 : index
    %get3A_66 = arith.constant 0 : index
    %get3A_67 = vector.load %arg6[%get3A_65, %get3A_66] : memref<16x256xf32, #tpu.memory_space<vmem>>, vector<1x256xf32>
    %max3A_68 = arith.maximumf %get3A_67, %broadcast_in_dim3A_64 : vector<1x256xf32>
    %swap3A_69 = arith.constant 2 : index
    %swap3A_70 = arith.constant 0 : index
    %swap3A_71 = vector.load %arg6[%swap3A_69, %swap3A_70] : memref<16x256xf32, #tpu.memory_space<vmem>>, vector<1x256xf32>
    tpu.vector_store %arg6[%swap3A_69, %swap3A_70], %max3A_68 {strides = array<i32>} : memref<16x256xf32, #tpu.memory_space<vmem>>, vector<1x256xf32>,
    %eq3A_72 = arith.constant 3 : i32
    %eq3A_73 = vector.broadcast %eq3A_72 : i32 to vector<1000x256xi32>
    %eq3A_74 = arith.cmpi eq, %get3A_28, %eq3A_73 : vector<1000x256xi32>
    %jit3A_75 = arith.constant 0xFF800000 : f32
    %broadcast_in_dim3A_76 = vector.broadcast %jit3A_75 : f32 to vector<1000x256xf32>
    %select_n3A_77 = arith.select %eq3A_74, %add3A_21, %broadcast_in_dim3A_76 : vector<1000x256xi1>, vector<1000x256xf32>
    %reduce_max3A_78 = arith.constant dense<0xFF800000> : vector<256xf32>
    %reduce_max3A_79 = vector.multi_reduction <maximumf>, %select_n3A_77, %reduce_max3A_78 [0] : vector<1000x256xf32> to vector<256xf32>
    %broadcast_in_dim3A_80 = vector.shape_cast %reduce_max3A_79 : vector<256xf32> to vector<1x256xf32>
    %get3A_81 = arith.constant 3 : index
    %get3A_82 = arith.constant 0 : index
    %get3A_83 = vector.load %arg6[%get3A_81, %get3A_82] : memref<16x256xf32, #tpu.memory_space<vmem>>, vector<1x256xf32>
    %max3A_84 = arith.maximumf %get3A_83, %broadcast_in_dim3A_80 : vector<1x256xf32>
    %swap3A_85 = arith.constant 3 : index
    %swap3A_86 = arith.constant 0 : index
    %swap3A_87 = vector.load %arg6[%swap3A_85, %swap3A_86] : memref<16x256xf32, #tpu.memory_space<vmem>>, vector<1x256xf32>
    tpu.vector_store %arg6[%swap3A_85, %swap3A_86], %max3A_84 {strides = array<i32>} : memref<16x256xf32, #tpu.memory_space<vmem>>, vector<1x256xf32>,
    %eq3A_88 = arith.constant 4 : i32
    %eq3A_89 = vector.broadcast %eq3A_88 : i32 to vector<1000x256xi32>
    %eq3A_90 = arith.cmpi eq, %get3A_28, %eq3A_89 : vector<1000x256xi32>
    %jit3A_91 = arith.constant 0xFF800000 : f32
    %broadcast_in_dim3A_92 = vector.broadcast %jit3A_91 : f32 to vector<1000x256xf32>
    %select_n3A_93 = arith.select %eq3A_90, %add3A_21, %broadcast_in_dim3A_92 : vector<1000x256xi1>, vector<1000x256xf32>
    %reduce_max3A_94 = arith.constant dense<0xFF800000> : vector<256xf32>
    %reduce_max3A_95 = vector.multi_reduction <maximumf>, %select_n3A_93, %reduce_max3A_94 [0] : vector<1000x256xf32> to vector<256xf32>
    %broadcast_in_dim3A_96 = vector.shape_cast %reduce_max3A_95 : vector<256xf32> to vector<1x256xf32>
    %get3A_97 = arith.constant 4 : index
    %get3A_98 = arith.constant 0 : index
    %get3A_99 = vector.load %arg6[%get3A_97, %get3A_98] : memref<16x256xf32, #tpu.memory_space<vmem>>, vector<1x256xf32>
    %max3A_100 = arith.maximumf %get3A_99, %broadcast_in_dim3A_96 : vector<1x256xf32>
    %swap3A_101 = arith.constant 4 : index
    %swap3A_102 = arith.constant 0 : index
    %swap3A_103 = vector.load %arg6[%swap3A_101, %swap3A_102] : memref<16x256xf32, #tpu.memory_space<vmem>>, vector<1x256xf32>
    tpu.vector_store %arg6[%swap3A_101, %swap3A_102], %max3A_100 {strides = array<i32>} : memref<16x256xf32, #tpu.memory_space<vmem>>, vector<1x256xf32>,
    %eq3A_104 = arith.constant 5 : i32
    %eq3A_105 = vector.broadcast %eq3A_104 : i32 to vector<1000x256xi32>
    %eq3A_106 = arith.cmpi eq, %get3A_28, %eq3A_105 : vector<1000x256xi32>
    %jit3A_107 = arith.constant 0xFF800000 : f32
    %broadcast_in_dim3A_108 = vector.broadcast %jit3A_107 : f32 to vector<1000x256xf32>
    %select_n3A_109 = arith.select %eq3A_106, %add3A_21, %broadcast_in_dim3A_108 : vector<1000x256xi1>, vector<1000x256xf32>
    %reduce_max3A_110 = arith.constant dense<0xFF800000> : vector<256xf32>
    %reduce_max3A_111 = vector.multi_reduction <maximumf>, %select_n3A_109, %reduce_max3A_110 [0] : vector<1000x256xf32> to vector<256xf32>
    %broadcast_in_dim3A_112 = vector.shape_cast %reduce_max3A_111 : vector<256xf32> to vector<1x256xf32>
    %get3A_113 = arith.constant 5 : index
    %get3A_114 = arith.constant 0 : index
    %get3A_115 = vector.load %arg6[%get3A_113, %get3A_114] : memref<16x256xf32, #tpu.memory_space<vmem>>, vector<1x256xf32>
    %max3A_116 = arith.maximumf %get3A_115, %broadcast_in_dim3A_112 : vector<1x256xf32>
    %swap3A_117 = arith.constant 5 : index
    %swap3A_118 = arith.constant 0 : index
    %swap3A_119 = vector.load %arg6[%swap3A_117, %swap3A_118] : memref<16x256xf32, #tpu.memory_space<vmem>>, vector<1x256xf32>
    tpu.vector_store %arg6[%swap3A_117, %swap3A_118], %max3A_116 {strides = array<i32>} : memref<16x256xf32, #tpu.memory_space<vmem>>, vector<1x256xf32>,
    %eq3A_120 = arith.constant 6 : i32
    %eq3A_121 = vector.broadcast %eq3A_120 : i32 to vector<1000x256xi32>
    %eq3A_122 = arith.cmpi eq, %get3A_28, %eq3A_121 : vector<1000x256xi32>
    %jit3A_123 = arith.constant 0xFF800000 : f32
    %broadcast_in_dim3A_124 = vector.broadcast %jit3A_123 : f32 to vector<1000x256xf32>
    %select_n3A_125 = arith.select %eq3A_122, %add3A_21, %broadcast_in_dim3A_124 : vector<1000x256xi1>, vector<1000x256xf32>
    %reduce_max3A_126 = arith.constant dense<0xFF800000> : vector<256xf32>
    %reduce_max3A_127 = vector.multi_reduction <maximumf>, %select_n3A_125, %reduce_max3A_126 [0] : vector<1000x256xf32> to vector<256xf32>
    %broadcast_in_dim3A_128 = vector.shape_cast %reduce_max3A_127 : vector<256xf32> to vector<1x256xf32>
    %get3A_129 = arith.constant 6 : index
    %get3A_130 = arith.constant 0 : index
    %get3A_131 = vector.load %arg6[%get3A_129, %get3A_130] : memref<16x256xf32, #tpu.memory_space<vmem>>, vector<1x256xf32>
    %max3A_132 = arith.maximumf %get3A_131, %broadcast_in_dim3A_128 : vector<1x256xf32>
    %swap3A_133 = arith.constant 6 : index
    %swap3A_134 = arith.constant 0 : index
    %swap3A_135 = vector.load %arg6[%swap3A_133, %swap3A_134] : memref<16x256xf32, #tpu.memory_space<vmem>>, vector<1x256xf32>
    tpu.vector_store %arg6[%swap3A_133, %swap3A_134], %max3A_132 {strides = array<i32>} : memref<16x256xf32, #tpu.memory_space<vmem>>, vector<1x256xf32>,
    %eq3A_136 = arith.constant 7 : i32
    %eq3A_137 = vector.broadcast %eq3A_136 : i32 to vector<1000x256xi32>
    %eq3A_138 = arith.cmpi eq, %get3A_28, %eq3A_137 : vector<1000x256xi32>
    %jit3A_139 = arith.constant 0xFF800000 : f32
    %broadcast_in_dim3A_140 = vector.broadcast %jit3A_139 : f32 to vector<1000x256xf32>
    %select_n3A_141 = arith.select %eq3A_138, %add3A_21, %broadcast_in_dim3A_140 : vector<1000x256xi1>, vector<1000x256xf32>
    %reduce_max3A_142 = arith.constant dense<0xFF800000> : vector<256xf32>
    %reduce_max3A_143 = vector.multi_reduction <maximumf>, %select_n3A_141, %reduce_max3A_142 [0] : vector<1000x256xf32> to vector<256xf32>
    %broadcast_in_dim3A_144 = vector.shape_cast %reduce_max3A_143 : vector<256xf32> to vector<1x256xf32>
    %get3A_145 = arith.constant 7 : index
    %get3A_146 = arith.constant 0 : index
    %get3A_147 = vector.load %arg6[%get3A_145, %get3A_146] : memref<16x256xf32, #tpu.memory_space<vmem>>, vector<1x256xf32>
    %max3A_148 = arith.maximumf %get3A_147, %broadcast_in_dim3A_144 : vector<1x256xf32>
    %swap3A_149 = arith.constant 7 : index
    %swap3A_150 = arith.constant 0 : index
    %swap3A_151 = vector.load %arg6[%swap3A_149, %swap3A_150] : memref<16x256xf32, #tpu.memory_space<vmem>>, vector<1x256xf32>
    tpu.vector_store %arg6[%swap3A_149, %swap3A_150], %max3A_148 {strides = array<i32>} : memref<16x256xf32, #tpu.memory_space<vmem>>, vector<1x256xf32>,
    %eq3A_152 = arith.constant 8 : i32
    %eq3A_153 = vector.broadcast %eq3A_152 : i32 to vector<1000x256xi32>
    %eq3A_154 = arith.cmpi eq, %get3A_28, %eq3A_153 : vector<1000x256xi32>
    %jit3A_155 = arith.constant 0xFF800000 : f32
    %broadcast_in_dim3A_156 = vector.broadcast %jit3A_155 : f32 to vector<1000x256xf32>
    %select_n3A_157 = arith.select %eq3A_154, %add3A_21, %broadcast_in_dim3A_156 : vector<1000x256xi1>, vector<1000x256xf32>
    %reduce_max3A_158 = arith.constant dense<0xFF800000> : vector<256xf32>
    %reduce_max3A_159 = vector.multi_reduction <maximumf>, %select_n3A_157, %reduce_max3A_158 [0] : vector<1000x256xf32> to vector<256xf32>
    %broadcast_in_dim3A_160 = vector.shape_cast %reduce_max3A_159 : vector<256xf32> to vector<1x256xf32>
    %get3A_161 = arith.constant 8 : index
    %get3A_162 = arith.constant 0 : index
    %get3A_163 = vector.load %arg6[%get3A_161, %get3A_162] : memref<16x256xf32, #tpu.memory_space<vmem>>, vector<1x256xf32>
    %max3A_164 = arith.maximumf %get3A_163, %broadcast_in_dim3A_160 : vector<1x256xf32>
    %swap3A_165 = arith.constant 8 : index
    %swap3A_166 = arith.constant 0 : index
    %swap3A_167 = vector.load %arg6[%swap3A_165, %swap3A_166] : memref<16x256xf32, #tpu.memory_space<vmem>>, vector<1x256xf32>
    tpu.vector_store %arg6[%swap3A_165, %swap3A_166], %max3A_164 {strides = array<i32>} : memref<16x256xf32, #tpu.memory_space<vmem>>, vector<1x256xf32>,
    %eq3A_168 = arith.constant 9 : i32
    %eq3A_169 = vector.broadcast %eq3A_168 : i32 to vector<1000x256xi32>
    %eq3A_170 = arith.cmpi eq, %get3A_28, %eq3A_169 : vector<1000x256xi32>
    %jit3A_171 = arith.constant 0xFF800000 : f32
    %broadcast_in_dim3A_172 = vector.broadcast %jit3A_171 : f32 to vector<1000x256xf32>
    %select_n3A_173 = arith.select %eq3A_170, %add3A_21, %broadcast_in_dim3A_172 : vector<1000x256xi1>, vector<1000x256xf32>
    %reduce_max3A_174 = arith.constant dense<0xFF800000> : vector<256xf32>
    %reduce_max3A_175 = vector.multi_reduction <maximumf>, %select_n3A_173, %reduce_max3A_174 [0] : vector<1000x256xf32> to vector<256xf32>
    %broadcast_in_dim3A_176 = vector.shape_cast %reduce_max3A_175 : vector<256xf32> to vector<1x256xf32>
    %get3A_177 = arith.constant 9 : index
    %get3A_178 = arith.constant 0 : index
    %get3A_179 = vector.load %arg6[%get3A_177, %get3A_178] : memref<16x256xf32, #tpu.memory_space<vmem>>, vector<1x256xf32>
    %max3A_180 = arith.maximumf %get3A_179, %broadcast_in_dim3A_176 : vector<1x256xf32>
    %swap3A_181 = arith.constant 9 : index
    %swap3A_182 = arith.constant 0 : index
    %swap3A_183 = vector.load %arg6[%swap3A_181, %swap3A_182] : memref<16x256xf32, #tpu.memory_space<vmem>>, vector<1x256xf32>
    tpu.vector_store %arg6[%swap3A_181, %swap3A_182], %max3A_180 {strides = array<i32>} : memref<16x256xf32, #tpu.memory_space<vmem>>, vector<1x256xf32>,
    %eq3A_184 = arith.constant 10 : i32
    %eq3A_185 = vector.broadcast %eq3A_184 : i32 to vector<1000x256xi32>
    %eq3A_186 = arith.cmpi eq, %get3A_28, %eq3A_185 : vector<1000x256xi32>
    %jit3A_187 = arith.constant 0xFF800000 : f32
    %broadcast_in_dim3A_188 = vector.broadcast %jit3A_187 : f32 to vector<1000x256xf32>
    %select_n3A_189 = arith.select %eq3A_186, %add3A_21, %broadcast_in_dim3A_188 : vector<1000x256xi1>, vector<1000x256xf32>
    %reduce_max3A_190 = arith.constant dense<0xFF800000> : vector<256xf32>
    %reduce_max3A_191 = vector.multi_reduction <maximumf>, %select_n3A_189, %reduce_max3A_190 [0] : vector<1000x256xf32> to vector<256xf32>
    %broadcast_in_dim3A_192 = vector.shape_cast %reduce_max3A_191 : vector<256xf32> to vector<1x256xf32>
    %get3A_193 = arith.constant 10 : index
    %get3A_194 = arith.constant 0 : index
    %get3A_195 = vector.load %arg6[%get3A_193, %get3A_194] : memref<16x256xf32, #tpu.memory_space<vmem>>, vector<1x256xf32>
    %max3A_196 = arith.maximumf %get3A_195, %broadcast_in_dim3A_192 : vector<1x256xf32>
    %swap3A_197 = arith.constant 10 : index
    %swap3A_198 = arith.constant 0 : index
    %swap3A_199 = vector.load %arg6[%swap3A_197, %swap3A_198] : memref<16x256xf32, #tpu.memory_space<vmem>>, vector<1x256xf32>
    tpu.vector_store %arg6[%swap3A_197, %swap3A_198], %max3A_196 {strides = array<i32>} : memref<16x256xf32, #tpu.memory_space<vmem>>, vector<1x256xf32>,
    %eq3A_200 = arith.constant 11 : i32
    %eq3A_201 = vector.broadcast %eq3A_200 : i32 to vector<1000x256xi32>
    %eq3A_202 = arith.cmpi eq, %get3A_28, %eq3A_201 : vector<1000x256xi32>
    %jit3A_203 = arith.constant 0xFF800000 : f32
    %broadcast_in_dim3A_204 = vector.broadcast %jit3A_203 : f32 to vector<1000x256xf32>
    %select_n3A_205 = arith.select %eq3A_202, %add3A_21, %broadcast_in_dim3A_204 : vector<1000x256xi1>, vector<1000x256xf32>
    %reduce_max3A_206 = arith.constant dense<0xFF800000> : vector<256xf32>
    %reduce_max3A_207 = vector.multi_reduction <maximumf>, %select_n3A_205, %reduce_max3A_206 [0] : vector<1000x256xf32> to vector<256xf32>
    %broadcast_in_dim3A_208 = vector.shape_cast %reduce_max3A_207 : vector<256xf32> to vector<1x256xf32>
    %get3A_209 = arith.constant 11 : index
    %get3A_210 = arith.constant 0 : index
    %get3A_211 = vector.load %arg6[%get3A_209, %get3A_210] : memref<16x256xf32, #tpu.memory_space<vmem>>, vector<1x256xf32>
    %max3A_212 = arith.maximumf %get3A_211, %broadcast_in_dim3A_208 : vector<1x256xf32>
    %swap3A_213 = arith.constant 11 : index
    %swap3A_214 = arith.constant 0 : index
    %swap3A_215 = vector.load %arg6[%swap3A_213, %swap3A_214] : memref<16x256xf32, #tpu.memory_space<vmem>>, vector<1x256xf32>
    tpu.vector_store %arg6[%swap3A_213, %swap3A_214], %max3A_212 {strides = array<i32>} : memref<16x256xf32, #tpu.memory_space<vmem>>, vector<1x256xf32>,
    %eq3A_216 = arith.constant 12 : i32
    %eq3A_217 = vector.broadcast %eq3A_216 : i32 to vector<1000x256xi32>
    %eq3A_218 = arith.cmpi eq, %get3A_28, %eq3A_217 : vector<1000x256xi32>
    %jit3A_219 = arith.constant 0xFF800000 : f32
    %broadcast_in_dim3A_220 = vector.broadcast %jit3A_219 : f32 to vector<1000x256xf32>
    %select_n3A_221 = arith.select %eq3A_218, %add3A_21, %broadcast_in_dim3A_220 : vector<1000x256xi1>, vector<1000x256xf32>
    %reduce_max3A_222 = arith.constant dense<0xFF800000> : vector<256xf32>
    %reduce_max3A_223 = vector.multi_reduction <maximumf>, %select_n3A_221, %reduce_max3A_222 [0] : vector<1000x256xf32> to vector<256xf32>
    %broadcast_in_dim3A_224 = vector.shape_cast %reduce_max3A_223 : vector<256xf32> to vector<1x256xf32>
    %get3A_225 = arith.constant 12 : index
    %get3A_226 = arith.constant 0 : index
    %get3A_227 = vector.load %arg6[%get3A_225, %get3A_226] : memref<16x256xf32, #tpu.memory_space<vmem>>, vector<1x256xf32>
    %max3A_228 = arith.maximumf %get3A_227, %broadcast_in_dim3A_224 : vector<1x256xf32>
    %swap3A_229 = arith.constant 12 : index
    %swap3A_230 = arith.constant 0 : index
    %swap3A_231 = vector.load %arg6[%swap3A_229, %swap3A_230] : memref<16x256xf32, #tpu.memory_space<vmem>>, vector<1x256xf32>
    tpu.vector_store %arg6[%swap3A_229, %swap3A_230], %max3A_228 {strides = array<i32>} : memref<16x256xf32, #tpu.memory_space<vmem>>, vector<1x256xf32>,
    %eq3A_232 = arith.constant 13 : i32
    %eq3A_233 = vector.broadcast %eq3A_232 : i32 to vector<1000x256xi32>
    %eq3A_234 = arith.cmpi eq, %get3A_28, %eq3A_233 : vector<1000x256xi32>
    %jit3A_235 = arith.constant 0xFF800000 : f32
    %broadcast_in_dim3A_236 = vector.broadcast %jit3A_235 : f32 to vector<1000x256xf32>
    %select_n3A_237 = arith.select %eq3A_234, %add3A_21, %broadcast_in_dim3A_236 : vector<1000x256xi1>, vector<1000x256xf32>
    %reduce_max3A_238 = arith.constant dense<0xFF800000> : vector<256xf32>
    %reduce_max3A_239 = vector.multi_reduction <maximumf>, %select_n3A_237, %reduce_max3A_238 [0] : vector<1000x256xf32> to vector<256xf32>
    %broadcast_in_dim3A_240 = vector.shape_cast %reduce_max3A_239 : vector<256xf32> to vector<1x256xf32>
    %get3A_241 = arith.constant 13 : index
    %get3A_242 = arith.constant 0 : index
    %get3A_243 = vector.load %arg6[%get3A_241, %get3A_242] : memref<16x256xf32, #tpu.memory_space<vmem>>, vector<1x256xf32>
    %max3A_244 = arith.maximumf %get3A_243, %broadcast_in_dim3A_240 : vector<1x256xf32>
    %swap3A_245 = arith.constant 13 : index
    %swap3A_246 = arith.constant 0 : index
    %swap3A_247 = vector.load %arg6[%swap3A_245, %swap3A_246] : memref<16x256xf32, #tpu.memory_space<vmem>>, vector<1x256xf32>
    tpu.vector_store %arg6[%swap3A_245, %swap3A_246], %max3A_244 {strides = array<i32>} : memref<16x256xf32, #tpu.memory_space<vmem>>, vector<1x256xf32>,
    %eq3A_248 = arith.constant 14 : i32
    %eq3A_249 = vector.broadcast %eq3A_248 : i32 to vector<1000x256xi32>
    %eq3A_250 = arith.cmpi eq, %get3A_28, %eq3A_249 : vector<1000x256xi32>
    %jit3A_251 = arith.constant 0xFF800000 : f32
    %broadcast_in_dim3A_252 = vector.broadcast %jit3A_251 : f32 to vector<1000x256xf32>
    %select_n3A_253 = arith.select %eq3A_250, %add3A_21, %broadcast_in_dim3A_252 : vector<1000x256xi1>, vector<1000x256xf32>
    %reduce_max3A_254 = arith.constant dense<0xFF800000> : vector<256xf32>
    %reduce_max3A_255 = vector.multi_reduction <maximumf>, %select_n3A_253, %reduce_max3A_254 [0] : vector<1000x256xf32> to vector<256xf32>
    %broadcast_in_dim3A_256 = vector.shape_cast %reduce_max3A_255 : vector<256xf32> to vector<1x256xf32>
    %get3A_257 = arith.constant 14 : index
    %get3A_258 = arith.constant 0 : index
    %get3A_259 = vector.load %arg6[%get3A_257, %get3A_258] : memref<16x256xf32, #tpu.memory_space<vmem>>, vector<1x256xf32>
    %max3A_260 = arith.maximumf %get3A_259, %broadcast_in_dim3A_256 : vector<1x256xf32>
    %swap3A_261 = arith.constant 14 : index
    %swap3A_262 = arith.constant 0 : index
    %swap3A_263 = vector.load %arg6[%swap3A_261, %swap3A_262] : memref<16x256xf32, #tpu.memory_space<vmem>>, vector<1x256xf32>
    tpu.vector_store %arg6[%swap3A_261, %swap3A_262], %max3A_260 {strides = array<i32>} : memref<16x256xf32, #tpu.memory_space<vmem>>, vector<1x256xf32>,
    %eq3A_264 = arith.constant 15 : i32
    %eq3A_265 = vector.broadcast %eq3A_264 : i32 to vector<1000x256xi32>
    %eq3A_266 = arith.cmpi eq, %get3A_28, %eq3A_265 : vector<1000x256xi32>
    %jit3A_267 = arith.constant 0xFF800000 : f32
    %broadcast_in_dim3A_268 = vector.broadcast %jit3A_267 : f32 to vector<1000x256xf32>
    %select_n3A_269 = arith.select %eq3A_266, %add3A_21, %broadcast_in_dim3A_268 : vector<1000x256xi1>, vector<1000x256xf32>
    %reduce_max3A_270 = arith.constant dense<0xFF800000> : vector<256xf32>
    %reduce_max3A_271 = vector.multi_reduction <maximumf>, %select_n3A_269, %reduce_max3A_270 [0] : vector<1000x256xf32> to vector<256xf32>
    %broadcast_in_dim3A_272 = vector.shape_cast %reduce_max3A_271 : vector<256xf32> to vector<1x256xf32>
    %get3A_273 = arith.constant 15 : index
    %get3A_274 = arith.constant 0 : index
    %get3A_275 = vector.load %arg6[%get3A_273, %get3A_274] : memref<16x256xf32, #tpu.memory_space<vmem>>, vector<1x256xf32>
    %max3A_276 = arith.maximumf %get3A_275, %broadcast_in_dim3A_272 : vector<1x256xf32>
    %swap3A_277 = arith.constant 15 : index
    %swap3A_278 = arith.constant 0 : index
    %swap3A_279 = vector.load %arg6[%swap3A_277, %swap3A_278] : memref<16x256xf32, #tpu.memory_space<vmem>>, vector<1x256xf32>
    tpu.vector_store %arg6[%swap3A_277, %swap3A_278], %max3A_276 {strides = array<i32>} : memref<16x256xf32, #tpu.memory_space<vmem>>, vector<1x256xf32>,
    return
  }
  func.func @transform_0(%arg0: i32) -> (i32, i32) {
    %c0_i32 = arith.constant 0 : i32
    %c0_i32_0 = arith.constant 0 : i32
    return %arg0, %c0_i32 : i32, i32
  }
  func.func @transform_1(%arg0: i32) -> (i32, i32) {
    %c0_i32 = arith.constant 0 : i32
    %c0_i32_0 = arith.constant 0 : i32
    return %arg0, %c0_i32 : i32, i32
  }
  func.func @transform_2(%arg0: i32) -> (i32, i32) {
    %add3A = arith.constant 10 : i32
    %add3A_0 = arith.addi %arg0, %add3A : i32
    %c0_i32 = arith.constant 0 : i32
    %c0_i32_1 = arith.constant 0 : i32
    return %add3A_0, %c0_i32 : i32, i32
  }
  func.func @transform_3(%arg0: i32) -> (i32, i32, i32) {
    %c0_i32 = arith.constant 0 : i32
    %c0_i32_0 = arith.constant 0 : i32
    %c0_i32_1 = arith.constant 0 : i32
    %c0_i32_2 = arith.constant 0 : i32
    return %c0_i32, %c0_i32_0, %c0_i32_1 : i32, i32, i32
  }
  func.func @transform_4(%arg0: i32) -> (i32, i32) {
    %c0_i32 = arith.constant 0 : i32
    %c0_i32_0 = arith.constant 0 : i32
    return %arg0, %c0_i32 : i32, i32
  }
  func.func @transform_5(%arg0: i32) -> (i32, i32) {
    %c0_i32 = arith.constant 0 : i32
    %c0_i32_0 = arith.constant 0 : i32
    %c0_i32_1 = arith.constant 0 : i32
    return %c0_i32, %c0_i32_0 : i32, i32
  }
  func.func @transform_6(%arg0: i32) -> (i32, i32) {
    %c0_i32 = arith.constant 0 : i32
    %c0_i32_0 = arith.constant 0 : i32
    return %arg0, %c0_i32 : i32, i32
  }
}

</mosaic_0001>

<sc_bundles>
// kernel: kernel.6.cloned.1.call-start
scs
__scs_entry_jumppad:
0x0: {  	(pc) =	sbr.rel $0x88, $3  }
0x1: {  	(tag) =	ssettag $0x0;
	lr =	simm.s32 $0x1  }
0x2: {  	[smem:$0x3F9B] =	sst lr;
	_ =	strace $0xD0000000  }
0x3: {  	_ = 	snop  }
0x4: {  	_ = 	snop  }
0x5: {  	_ = 	snop  }
0x6: {  	_ = 	snop  }
0x7: {  	_ = 	snop  }
__scs_overlays_trampoline_lowered:
0x8: {  	[smem:$0x3FAA] =	sst s0  }
0x9: {  	[smem:$0x3FAB] =	sst s1  }
0xa: {  	[smem:$0x3FAC] =	sst s2  }
0xb: {  	[smem:$0x3FAD] =	sst s3  }
0xc: {  	[smem:$0x3FAE] =	sst s4  }
0xd: {  	[smem:$0x3FAF] =	sst s5  }
0xe: {  	[smem:$0x3FB0] =	sst s6  }
0xf: {  	[smem:$0x3FB1] =	sst s7  }
0x10: {  	[smem:$0x3FB2] =	sst s8  }
0x11: {  	[smem:$0x3FB3] =	sst s9;
	s0 =	simm.s32 @!p0 $0x0  }
0x12: {  	s1 =	sld [smem:$0x3F99];
	s0 =	simm.s32 @p0 $0x1  }
0x13: {  	[smem:$0x3FB4] =	sst s0;
	s0 =	simm.s32 @!p1 $0x0  }
0x14: {  	s2 =	sld [smem:$0x3F98];
	s0 =	simm.s32 @p1 $0x1  }
0x15: {  	[smem:$0x3FB5] =	sst s0;
	s0 =	simm.s32 @!p2 $0x0  }
0x16: {  	s3 =	sld [smem:$0x3FDB];
	s0 =	simm.s32 @p2 $0x1  }
0x17: {  	s4 =	simm.s32 $0x1BF5;
	[smem:$0x3FB7] =	sst s0  }
0x18: {  	s0 =	sld [smem:$0x3F9A];
	_ =	swait.ge [sflag:s4], $0x0  }
0x19: {  	s7 =	sld [smem:$0x3F9B]  }
0x1a: {  	s8 =	sadd.s32 $0xFFFFE003, lr  }
0x1b: {  	s9 =	sadd.s32 $0xFFFFFEF7, lr;
	s5 =	simm.s32 $0xFFFFFFFF;
	p2 =	slt.u32 s8, $0xFFFFF086  }
0x1c: {  	p1 =	slt.u32 s9, $0xF7A;
	s5 =	simm.s32 @!p2 $0x0  }
0x1d: {  	s5 =	simm.s32 @p1 $0x1;
	p0 =	seq.s32 s7, s2  }
0x1e: {  	s7 =	smul.u32 @!p0 $0xF7A, s2;
	p2 =	seq.s32 @!p0 s5, $0x0  }
0x1f: {  	s9 =	smul.u32 $0xF7A, s1;
	s8 =	simm.s32 @!p0 $0x1BF5;
	p2 =	por !p2, p0  }
0x20: {  	[sflag:s8] =	ssyncset.s32 @!p0 $0xFFFFF086;
	s6 =	sadd.s32 @!p0 s3, s7;
	s7 =	simm.s32 @!p0 $0x108  }
0x21: {  	s3 =	sadd.s32 s3, s9;
	s6 =	sadd.s32 @!p0 $0x88, s6;
	s7 =	simm.s32 @p2 $0x1082  }
0x22: {  	[simem:s7], [sflag:s8] =	dma.local @!p0 [hbm:s6], $0xF7A  }
0x23: {  	s9 =	sor.u32 $0xD0000000, s2;
	s6 =	simm.s32 $0x108;
	_ =	swait.ge @!p0 [sflag:s8], $0x0  }
0x24: {  	s3 =	sadd.s32 $0x88, s3;
	s6 =	simm.s32 @!p1 $0x1082;
	[sflag:s4] =	ssyncset.s32 $0xFFFFF086  }
0x25: {  	[simem:s6], [sflag:s4] =	dma.local [hbm:s3], $0xF7A  }
0x26: {  	[smem:$0x3F9B] =	sst s1;
	(tag) =	ssettag s2;
	_ =	strace s9  }
0x27: {  	s1 =	sld [smem:$0x3FAB]  }
0x28: {  	s2 =	sld [smem:$0x3FAC]  }
0x29: {  	s4 =	sld [smem:$0x3FAE]  }
0x2a: {  	p0 =	seq.s32 s5, $0x0;
	s5 =	sld [smem:$0x3FAF]  }
0x2b: {  	s6 =	sld [smem:$0x3FB0]  }
0x2c: {  	s7 =	sld [smem:$0x3FB1]  }
0x2d: {  	s3 =	simm.s32 $0x108;
	s8 =	sld [smem:$0x3FB2]  }
0x2e: {  	s3 =	simm.s32 @!p0 $0x1082;
	s9 =	sld [smem:$0x3FB3]  }
0x2f: {  	lr =	sadd.s32 s0, s3;
	s0 =	sld [smem:$0x3FAA]  }
0x30: {  	s3 =	sld [smem:$0x3FAD]  }
0x31: {  	[smem:$0x3FB6] =	sst s10  }
0x32: {  	s10 =	sld [smem:$0x3FB4];
	_ =	sdelay $0x3  }
0x33: {  	p0 =	seq.s32 s10, $0x1;
	s10 =	sld [smem:$0x3FB6];
	_ =	sdelay $0x3  }
0x34: {  	[smem:$0x3FB6] =	sst s10  }
0x35: {  	s10 =	sld [smem:$0x3FB5];
	_ =	sdelay $0x3  }
0x36: {  	p1 =	seq.s32 s10, $0x1;
	s10 =	sld [smem:$0x3FB6];
	_ =	sdelay $0x3  }
0x37: {  	[smem:$0x3FB6] =	sst s10  }
0x38: {  	s10 =	sld [smem:$0x3FB7]  }
0x39: {  	_ = 	snop;
	(pc) =	sbr.ind lr, $3  }
0x3a: {  	_ = 	snop  }
0x3b: {  	_ = 	snop  }
0x3c: {  	p2 =	seq.s32 s10, $0x1;
	s10 =	sld [smem:$0x3FB6]  }
0x3d: {  	_ =	shalt  }
0x3e: {  	_ =	shalt  }
0x3f: {  	_ =	shalt  }
0x40: {  	_ =	shalt  }
0x41: {  	_ =	shalt  }
0x42: {  	_ =	shalt  }
0x43: {  	_ =	shalt  }
0x44: {  	_ =	shalt  }
0x45: {  	_ =	shalt  }
0x46: {  	_ =	shalt  }
0x47: {  	_ =	shalt  }
0x48: {  	_ =	shalt  }
0x49: {  	_ =	shalt  }
0x4a: {  	_ =	shalt  }
0x4b: {  	_ =	shalt  }
0x4c: {  	_ =	shalt  }
0x4d: {  	_ =	shalt  }
0x4e: {  	_ =	shalt  }
0x4f: {  	_ =	shalt  }
0x50: {  	_ =	shalt  }
0x51: {  	_ =	shalt  }
0x52: {  	_ =	shalt  }
0x53: {  	_ =	shalt  }
0x54: {  	_ =	shalt  }
0x55: {  	_ =	shalt  }
0x56: {  	_ =	shalt  }
0x57: {  	_ =	shalt  }
0x58: {  	_ =	shalt  }
0x59: {  	_ =	shalt  }
0x5a: {  	_ =	shalt  }
0x5b: {  	_ =	shalt  }
0x5c: {  	_ =	shalt  }
0x5d: {  	_ =	shalt  }
0x5e: {  	_ =	shalt  }
0x5f: {  	_ =	shalt  }
0x60: {  	_ =	shalt  }
0x61: {  	_ =	shalt  }
0x62: {  	_ =	shalt  }
0x63: {  	_ =	shalt  }
0x64: {  	_ =	shalt  }
0x65: {  	_ =	shalt  }
0x66: {  	_ =	shalt  }
0x67: {  	_ =	shalt  }
0x68: {  	_ =	shalt  }
0x69: {  	_ =	shalt  }
0x6a: {  	_ =	shalt  }
0x6b: {  	_ =	shalt  }
0x6c: {  	_ =	shalt  }
0x6d: {  	_ =	shalt  }
0x6e: {  	_ =	shalt  }
0x6f: {  	_ =	shalt  }
0x70: {  	_ =	shalt  }
0x71: {  	_ =	shalt  }
0x72: {  	_ =	shalt  }
0x73: {  	_ =	shalt  }
0x74: {  	_ =	shalt  }
0x75: {  	_ =	shalt  }
0x76: {  	_ =	shalt  }
0x77: {  	_ =	shalt  }
0x78: {  	_ =	shalt  }
0x79: {  	_ =	shalt  }
0x7a: {  	_ =	shalt  }
0x7b: {  	_ =	shalt  }
0x7c: {  	_ =	shalt  }
0x7d: {  	_ =	shalt  }
0x7e: {  	_ =	shalt  }
0x7f: {  	_ =	shalt  }
0x80: {  	_ =	shalt  }
0x81: {  	_ =	shalt  }
0x82: {  	_ =	shalt  }
0x83: {  	_ =	shalt  }
0x84: {  	_ =	shalt  }
0x85: {  	_ =	shalt  }
0x86: {  	_ =	shalt  }
0x87: {  	_ =	shalt  }
.Lfunc_end0:
.L_simem_size_0:
called_computation_lowered:
.L_overlay_start_0:
0x88: {  	s2 =	sld [smem:$0x3FD9]  }
0x89: {  	s3 =	sld [smem:$0x3FFE];
	_ =	sdelay $0x1  }
0x8a: {  	s1 =	srdreg.scid  }
0x8b: {  	s0 =	sand.u32 $0x1, s1  }
0x8c: {  	s14 =	sshll.u32 s0, $0xA;
	s2 =	sadd.s32 s3, s2  }
0x8d: {  	s2 =	sadd.s32 s2, s14  }
0x8e: {  	[smem:$0x3FC2] =	sst s2  }
0x8f: {  	_ = 	snop  }
0x90: {  	s2 =	sld [smem:$0x3FD0];
	_ =	sdelay $0x2  }
0x91: {  	s15 =	simm.s32 $0xB;
	s4 =	simm.s32 $0x10  }
0x92: {  	[smem:s4], [sflag:s15] =	dma.local [hbm:s2], $0x1  }
0x93: {  	_ =	swait.eq [sflag:s15], $0x1  }
0x94: {  	[sflag:s15] =	ssyncset.done $0x0  }
0x95: {  	[sflag:s15] =	ssyncadd.s32 $0xFFFFFFFF  }
0x96: {  	s16 =	sld [smem:$0x11];
	(tm) =	ssettm $0x1  }
0x97: {  	s17 =	sld [smem:$0x3FFB];
	_ =	sdelay $0x3  }
0x98: {  	_ =	strace s17  }
0x99: {  	s3 =	sld [smem:$0x3FFC];
	_ =	sdelay $0x3  }
0x9a: {  	_ =	strace s3  }
0x9b: {  	s3 =	sld [smem:$0x3FFD];
	_ =	sdelay $0x3  }
0x9c: {  	_ =	strace s3  }
0x9d: {  	_ =	strace $0x8FFFFFFF  }
0x9e: {  	s18 =	sld [smem:$0x3FDB];
	_ =	sdelay $0x1  }
0x9f: {  	s19 =	simm.s32 $_scs_section_size  }
0xa0: {  	s5 =	simm.s32 $_size__tile_overlayer_lowered;
	s6 =	simm.s32 $_tile_overlayer_lowered  }
0xa1: {  	s22 =	simm.s32 $0x1BFF;
	s21 =	sshll.u32 s6, $0x1;
	s3 =	sadd.s32 s19, s18  }
0xa2: {  	s7 =	simm.s32 $0x0;
	s20 =	sshll.u32 s5, $0x1;
	s5 =	sadd.s32 s21, s3  }
0xa3: {  	[timem:s7], [sflag:s22] =	dma.local [hbm:s5], s20  }
0xa4: {  	_ =	swait.ge [sflag:s22], s20  }
0xa5: {  	s4 =	ssub.s32 $0x0, s20;
	[sflag:s22] =	ssyncset.done $0x0  }
0xa6: {  	[sflag:s22] =	ssyncadd.s32 s4;
	_ =	sdelay $0x1  }
0xa7: {  	s23 =	simm.s32 $0x1B8B  }
0xa8: {  	_ =	swait.ge [sflag:s23], $0x1  }
0xa9: {  	[sflag:s23] =	ssyncset.done $0x0  }
0xaa: {  	s25 =	simm.s32 $0x1B8E;
	s24 =	sld [smem:$0x3FFE];
	[sflag:s23] =	ssyncadd.s32 $0xFFFFFFFF  }
0xab: {  	s26 =	simm.s32 $execute0_lowered;
	[smem:$0x3FD2] =	sst s25  }
0xac: {  	s5 =	sshll.u32 s26, $0x1;
	_ =	strace $0x80000046;
	[dreg:$0x1] =	wrdreg $0xFFFFFFFF  }
0xad: {  	s28 =	simm.s32 $_size_execute0_lowered;
	s3 =	sadd.s32 s3, s5;
	[dreg:$0x0] =	wrdreg $0x0  }
0xae: {  	s5 =	sshll.u32 s28, $0x1;
	[dreg:$0x2] =	wrdreg s3  }
0xaf: {  	[dreg:$0x3] =	wrdreg s5  }
0xb0: {  	[dreg:$0x4] =	wrdreg $0xC0  }
0xb1: {  	_ =	task [dreg:s7], $0x5FFFF  }
0xb2: {  	[dreg:$0x1] =	wrdreg $0xFFFFFFFF  }
0xb3: {  	[dreg:$0x0] =	wrdreg $0x60  }
0xb4: {  	[dreg:$0x2] =	wrdreg s16  }
0xb5: {  	[dreg:$0x3] =	wrdreg s24  }
0xb6: {  	[dreg:$0x4] =	wrdreg $0xC4000  }
0xb7: {  	[dreg:$0x5] =	wrdreg $0x9  }
0xb8: {  	_ =	task.clear_ibuf [dreg:s7], $0x6FFFF;
	_ =	strace $0x90000046  }
0xb9: {  	s29 =	simm.s32 $0x9;
	_ =	strace $0x80000048  }
0xba: {  	_ =	swait.ge [sflag:s29], $0x1  }
0xbb: {  	[sflag:s29] =	ssyncadd.s32 $0xFFFFFFFF  }
0xbc: {  	_ =	strace $0x90000048  }
0xbd: {  	_ =	sfence  }
0xbe: {  	s30 =	sld [smem:$0x0];
	_ =	sdelay $0x2  }
0xbf: {  	s31 =	sshll.u32 s1, $0xD;
	s1 =	sshrl.u32 s1, $0x2  }
0xc0: {  	s3 =	sand.u32 $0x4000, s31;
	s1 =	sadd.s32 s1, s30  }
0xc1: {  	s0 =	sor.u32 s3, s0;
	s1 =	sshll.u32 s1, $0x11  }
0xc2: {  	s0 =	sor.u32 s1, s0  }
0xc3: {  	s0 =	sadd.s32 $0x8F2B, s0  }
0xc4: {  	[sflag:s0] =	ssyncadd.remote.s32 $0x1  }
0xc5: {  	_ =	sfence.sel $0xFFFF  }
0xc6: {  	[dreg:$0x0] =	wrdreg $0xFFFFFFFF;
	(pc) =	sbr.abs _section_cstart, $3  }
0xc7: {  	[dreg:$0x1] =	wrdreg $0xFFFFFFFF  }
0xc8: {  	_ =	task.clear_ibuf [dreg:s7], $0x2FFFF;
	_ =	strace $0x9FFFFFFF  }
0xc9: {  	(tm) =	ssettm $0x7FFFFFFF  }
tec
execute0_lowered:
.L_overlay_start_1:
0x0: {  	(tag) =	ssettag $0x1  }
0x1: {  	s1 =	rddreg [dreg:$0x0]  }
0x2: {  	s0 =	srdreg.scid;
	s2 =	rddreg [dreg:$0x1]  }
0x3: {  	s20 =	stileid.u32;
	s3 =	rddreg [dreg:$0x2];
	s28 =	simm.s32 $0x3  }
0x4: {  	s29 =	simm.s32 $0x2;
	s30 =	simm.s32 $0x4;
	s6 =	smul.u32 $0x680, s20  }
0x5: {  	s31 =	simm.s32 $0x5800;
	s0 =	sand.u32 $0x1, s0;
	s8 =	smul.u32 $0x4E000, s20  }
0x6: {  	s12 =	smul.u32 $0x270, s20;
	s24 =	sshll.u32 s20, $0x6;
	s21 =	sadd.s32 $0x138000, s3  }
0x7: {  	p0 =	sne.s32 s20, $0xF;
	s4 =	sshll.u32 s0, $0x4;
	s10 =	smul.u32 $0x2710, s0  }
0x8: {  	s11 =	ssub.s32 $0x2, s0;
	s0 =	smul.u32 $0x138800, s0;
	s21 =	sshrl.u32 @!p0 s21, $0x3  }
0x9: {  	s5 =	sor.u32 s20, s4;
	s4 =	simm.s32 $0x0;
	s9 =	sadd.s32 s6, s2  }
0xa: {  	s6 =	sadd.s32 $0x5F800, s2;
	s13 =	sshrl.u32 s11, $0x1;
	s8 =	sshrl.u32 s8, $0x2  }
0xb: {  	s20 =	simm.s32 $0x5;
	s5 =	smul.u32 $0x4FA, s5;
	[smem:$0x7FF] =	sst s4  }
0xc: {  	s18 =	ssub.s32 s11, s13;
	s10 =	sadd.s32 s12, s10;
	s19 =	sadd.s32 s8, s3  }
0xd: {  	s0 =	sshrl.u32 s0, $0x3;
	s8 =	sor.u32 $0x1C05, s24;
	s26 =	sadd.s32 $0xAE00, s9  }
0xe: {  	s24 =	simm.s32 $0x5C00;
	_ =	strace $0x80000047;
	s16 =	sshll.u32 s10, $0x4  }
0xf: {  	s0 =	sadd.s32 $0x27000, s0;
	[dreg:$0x7] =	wrdreg s26;
	s18 =	smax.u32 s18, $0x1  }
0x10: {  	s19 =	sshrl.u32 s19, $0x3;
	s26 =	simm.s32 $0x1;
	s7 =	sadd.s32 s5, s2  }
0x11: {  	s5 =	sadd.s32 $0x11600, s2;
	s2 =	sadd.s32 $0xADA00, s2;
	s23 =	sadd.s32 s1, s16  }
0x12: {  	s25 =	sadd.s32 s1, s0;
	s14 =	sadd.s32 s6, s16;
	[dreg:$0x4] =	wrdreg s23  }
0x13: {  	s15 =	sadd.s32 s6, s0;
	[dreg:$0x5] =	wrdreg s25;
	s7 =	sadd.s32 $0xE00, s7  }
0x14: {  	s12 =	sadd.s32 s5, s16;
	s13 =	sadd.s32 s5, s0;
	s16 =	sadd.s32 s2, s16  }
0x15: {  	s17 =	sadd.s32 s2, s0;
	s23 =	simm.s32 $0x68;
	s25 =	simm.s32 $0x9000  }
0x16: {  	s2 =	simm.s32 $0x5880;
	s0 =	simm.s32 $0x0;
	[dreg:$0x6] =	wrdreg s7  }
.LBB2_1:
0x17: {  	s7 =	rddreg [dreg:$0x4]  }
0x18: {  	[spmem:s19], [sflag:s8] =	dma.local [hbm:s7], $0x2700  }
0x19: {  	_ =	swait.ge [sflag:s20], $0x2700  }
0x1a: {  	[sflag:s20] =	ssyncset.done $0x0  }
0x1b: {  	s7 =	rddreg [dreg:$0x5];
	[sflag:s20] =	ssyncadd.s32 $0xFFFFD900  }
0x1c: {  	[spmem:s21], [sflag:s8] =	dma.local @!p0 [hbm:s7], $0x100  }
0x1d: {  	s7 =	simm.s32 @!p0 $0x5  }
0x1e: {  	_ =	swait.ge @!p0 [sflag:s7], $0x100  }
0x1f: {  	[sflag:s7] =	ssyncset.done @!p0 $0x0  }
0x20: {  	s11 =	rddreg [dreg:$0x6];
	[sflag:s7] =	ssyncadd.s32 @!p0 $0xFFFFFF00  }
0x21: {  	[tilespmem:s4], [sflag:$0x5] =	stream.linear.gather [hbm4b:s11+s4], $0x27D0, $0x38;
	[tilespmem:$0x1FCC0] =	vst v63  }
0x22: {  	_ =	swait.ge [sflag:s20], $0x27D0  }
0x23: {  	[sflag:s20] =	ssyncset.done $0x0  }
0x24: {  	s9 =	simm.s32 $0x2800;
	s22 =	rddreg [dreg:$0x7];
	[sflag:s20] =	ssyncadd.s32 $0xFFFFD830  }
0x25: {  	[tilespmem:s9], [sflag:$0x5] =	stream.linear.gather [hbm4b:s22+s4], $0x3100, $0x38;
	[tilespmem:$0x1FCC0] =	vst v63  }
0x26: {  	_ =	swait.ge [sflag:s20], $0x3100  }
0x27: {  	[sflag:s20] =	ssyncset.done $0x0  }
0x28: {  	[sflag:s20] =	ssyncadd.s32 $0xFFFFCF00  }
0x29: {  	[bflag:$0x0] =	sbarrier.arrive $0xFFFF  }
0x2a: {  	[tilespmem:s24], [sflag:$0x1] =	stream.indirect.gather [hbm4b:s1+s23], $0x80, s4, s23, $0xb8;
	[tilespmem:$0x1FCC0] =	vst v63  }
0x2b: {  	_ = 	snop  }
0x2c: {  	[tilespmem:s25], [sflag:$0x2] =	stream.indirect.gather [hbm4b:s1+s23], $0x80, s23, s23, $0xb8;
	[tilespmem:$0x1FCC0] =	vst v63  }
0x2d: {  	_ =	swait.ge [sflag:s26], $0x3400  }
0x2e: {  	[sflag:s26] =	ssyncset.done $0x0  }
0x2f: {  	s10 =	simm.s32 $0x2800;
	[sflag:s26] =	ssyncadd.s32 $0xFFFFCC00  }
0x30: {  	[spmem:s3] =	stream.indirect.scatter.add.f32 [tilespmem:s24], [sflag:$0x3], $0x80, s10, s23, $0xb8;
	[tilespmem:$0x1FCC0] =	vst v63  }
0x31: {  	_ =	swait.ge [sflag:s28], $0x3400  }
0x32: {  	[sflag:s28] =	ssyncset.done $0x0  }
0x33: {  	s11 =	simm.s32 $0xD0;
	[sflag:s28] =	ssyncadd.s32 $0xFFFFCC00  }
0x34: {  	[tilespmem:s24], [sflag:$0x1] =	stream.indirect.gather [hbm4b:s1+s23], $0x80, s11, s23, $0xb8;
	[tilespmem:$0x1FCC0] =	vst v63  }
0x35: {  	_ =	swait.ge [sflag:s29], $0x3400  }
0x36: {  	[sflag:s29] =	ssyncset.done $0x0  }
0x37: {  	s22 =	simm.s32 $0x2880;
	[sflag:s29] =	ssyncadd.s32 $0xFFFFCC00  }
0x38: {  	[spmem:s3] =	stream.indirect.scatter.add.f32 [tilespmem:s25], [sflag:$0x4], $0x80, s22, s23, $0xb8;
	[tilespmem:$0x1FCC0] =	vst v63  }
0x39: {  	_ =	swait.ge [sflag:s30], $0x3400  }
0x3a: {  	s7 =	simm.s32 $0x400;
	[sflag:s30] =	ssyncset.done $0x0  }
0x3b: {  	s9 =	simm.s32 $0x208;
	s22 =	simm.s32 $0x138;
	[sflag:s30] =	ssyncadd.s32 $0xFFFFCC00  }
.LBB2_2:
0x3c: {  	[tilespmem:s25], [sflag:$0x2] =	stream.indirect.gather [hbm4b:s1+s23], $0x80, s22, s23, $0xb8;
	[tilespmem:$0x1FCC0] =	vst v63  }
0x3d: {  	s10 =	smov.u32 s7;
	s22 =	smov.u32 s9  }
0x3e: {  	p1 =	sne.s32 s7, $0xBC00;
	s7 =	sadd.s32 $0x400, s7;
	_ =	swait.ge [sflag:s26], $0x3400  }
0x3f: {  	s10 =	sshra.s32 s10, $0x2;
	[sflag:s26] =	ssyncset.done $0x0  }
0x40: {  	s11 =	sadd.s32 $0x2800, s10;
	[sflag:s26] =	ssyncadd.s32 $0xFFFFCC00  }
0x41: {  	[spmem:s3] =	stream.indirect.scatter.add.f32 [tilespmem:s24], [sflag:$0x3], $0x80, s11, s23, $0xb8;
	[tilespmem:$0x1FCC0] =	vst v63  }
0x42: {  	_ =	swait.ge [sflag:s28], $0x3400  }
0x43: {  	[sflag:s28] =	ssyncset.done $0x0  }
0x44: {  	s11 =	sadd.s32 $0xFFFFFF98, s9;
	[sflag:s28] =	ssyncadd.s32 $0xFFFFCC00  }
0x45: {  	[tilespmem:s24], [sflag:$0x1] =	stream.indirect.gather [hbm4b:s1+s23], $0x80, s11, s23, $0xb8;
	[tilespmem:$0x1FCC0] =	vst v63  }
0x46: {  	_ =	swait.ge [sflag:s29], $0x3400  }
0x47: {  	[sflag:s29] =	ssyncset.done $0x0  }
.Ltmp0:
0x48: {  	s10 =	sadd.s32 $0x2880, s10;
	[sflag:s29] =	ssyncadd.s32 $0xFFFFCC00;
	(pc) =	sbr.rel @p1 .LBB2_2-.Ltmp0, $4  }
0x49: {  	[spmem:s3] =	stream.indirect.scatter.add.f32 [tilespmem:s25], [sflag:$0x4], $0x80, s10, s23, $0xb8;
	[tilespmem:$0x1FCC0] =	vst v63  }
0x4a: {  	_ =	swait.ge [sflag:s30], $0x3400  }
0x4b: {  	[sflag:s30] =	ssyncset.done $0x0  }
0x4c: {  	s9 =	sadd.s32 $0xD0, s9;
	[sflag:s30] =	ssyncadd.s32 $0xFFFFCC00  }
0x4d: {  	[tilespmem:s25], [sflag:$0x2] =	stream.indirect.gather [hbm4b:s1+s23], $0x80, s22, s23, $0xb8;
	[tilespmem:$0x1FCC0] =	vst v63  }
0x4e: {  	_ =	swait.ge [sflag:s26], $0x3400  }
0x4f: {  	[sflag:s26] =	ssyncset.done $0x0  }
0x50: {  	[sflag:s26] =	ssyncadd.s32 $0xFFFFCC00  }
0x51: {  	[spmem:s3] =	stream.indirect.scatter.add.f32 [tilespmem:s24], [sflag:$0x3], $0x80, s31, s23, $0xb8;
	[tilespmem:$0x1FCC0] =	vst v63  }
0x52: {  	_ =	swait.ge [sflag:s28], $0x3400  }
0x53: {  	[sflag:s28] =	ssyncset.done $0x0  }
0x54: {  	[sflag:s28] =	ssyncadd.s32 $0xFFFFCC00  }
0x55: {  	_ =	swait.ge [sflag:s29], $0x3400  }
0x56: {  	[sflag:s29] =	ssyncset.done $0x0  }
0x57: {  	[sflag:s29] =	ssyncadd.s32 $0xFFFFCC00  }
0x58: {  	[spmem:s3] =	stream.indirect.scatter.add.f32 [tilespmem:s25], [sflag:$0x4], $0x80, s2, s23, $0xb8;
	[tilespmem:$0x1FCC0] =	vst v63  }
0x59: {  	_ =	swait.ge [sflag:s30], $0x3400  }
0x5a: {  	[sflag:s30] =	ssyncset.done $0x0  }
0x5b: {  	[sflag:s30] =	ssyncadd.s32 $0xFFFFCC00  }
0x5c: {  	[bflag:$0x0] =	sbarrier.arrive $0xFFFF  }
0x5d: {  	[hbm:s12], [sflag:s8] =	dma.local [spmem:s19], $0x2700  }
0x5e: {  	_ =	swait.ge [sflag:s20], $0x2700  }
0x5f: {  	[sflag:s20] =	ssyncset.done $0x0  }
0x60: {  	s7 =	simm.s32 @!p0 $0x5;
	[sflag:s20] =	ssyncadd.s32 $0xFFFFD900  }
0x61: {  	[hbm:s13], [sflag:s8] =	dma.local @!p0 [spmem:s21], $0x100  }
0x62: {  	_ =	swait.ge @!p0 [sflag:s7], $0x100  }
0x63: {  	[sflag:s7] =	ssyncset.done @!p0 $0x0  }
0x64: {  	[sflag:s7] =	ssyncadd.s32 @!p0 $0xFFFFFF00  }
0x65: {  	s9 =	simm.s32 $0x0;
	[bflag:$0x0] =	sbarrier.arrive $0xFFFF  }
0x66: {  	[tilespmem:s24], [sflag:$0x1] =	stream.indirect.gather [hbm4b:s5+s23], $0x80, s9, s23, $0xb8;
	[tilespmem:$0x1FCC0] =	vst v63  }
0x67: {  	_ = 	snop  }
0x68: {  	[tilespmem:s25], [sflag:$0x2] =	stream.indirect.gather [hbm4b:s5+s23], $0x80, s23, s23, $0xb8;
	[tilespmem:$0x1FCC0] =	vst v63  }
0x69: {  	_ =	swait.ge [sflag:s26], $0x3400  }
0x6a: {  	[sflag:s26] =	ssyncset.done $0x0  }
0x6b: {  	s10 =	simm.s32 $0x2800;
	[sflag:s26] =	ssyncadd.s32 $0xFFFFCC00  }
0x6c: {  	[spmem:s3] =	stream.indirect.scatter.add.f32 [tilespmem:s24], [sflag:$0x3], $0x80, s10, s23, $0xb8;
	[tilespmem:$0x1FCC0] =	vst v63  }
0x6d: {  	_ =	swait.ge [sflag:s28], $0x3400  }
0x6e: {  	[sflag:s28] =	ssyncset.done $0x0  }
0x6f: {  	s11 =	simm.s32 $0xD0;
	[sflag:s28] =	ssyncadd.s32 $0xFFFFCC00  }
0x70: {  	[tilespmem:s24], [sflag:$0x1] =	stream.indirect.gather [hbm4b:s5+s23], $0x80, s11, s23, $0xb8;
	[tilespmem:$0x1FCC0] =	vst v63  }
0x71: {  	_ =	swait.ge [sflag:s29], $0x3400  }
0x72: {  	[sflag:s29] =	ssyncset.done $0x0  }
0x73: {  	s22 =	simm.s32 $0x2880;
	[sflag:s29] =	ssyncadd.s32 $0xFFFFCC00  }
0x74: {  	[spmem:s3] =	stream.indirect.scatter.add.f32 [tilespmem:s25], [sflag:$0x4], $0x80, s22, s23, $0xb8;
	[tilespmem:$0x1FCC0] =	vst v63  }
0x75: {  	_ =	swait.ge [sflag:s30], $0x3400  }
0x76: {  	s7 =	simm.s32 $0x400;
	[sflag:s30] =	ssyncset.done $0x0  }
0x77: {  	s9 =	simm.s32 $0x208;
	s22 =	simm.s32 $0x138;
	[sflag:s30] =	ssyncadd.s32 $0xFFFFCC00  }
.LBB2_4:
0x78: {  	[tilespmem:s25], [sflag:$0x2] =	stream.indirect.gather [hbm4b:s5+s23], $0x80, s22, s23, $0xb8;
	[tilespmem:$0x1FCC0] =	vst v63  }
0x79: {  	s10 =	smov.u32 s7;
	s22 =	smov.u32 s9  }
0x7a: {  	p1 =	sne.s32 s7, $0xBC00;
	s7 =	sadd.s32 $0x400, s7;
	_ =	swait.ge [sflag:s26], $0x3400  }
0x7b: {  	s10 =	sshra.s32 s10, $0x2;
	[sflag:s26] =	ssyncset.done $0x0  }
0x7c: {  	s11 =	sadd.s32 $0x2800, s10;
	[sflag:s26] =	ssyncadd.s32 $0xFFFFCC00  }
0x7d: {  	[spmem:s3] =	stream.indirect.scatter.add.f32 [tilespmem:s24], [sflag:$0x3], $0x80, s11, s23, $0xb8;
	[tilespmem:$0x1FCC0] =	vst v63  }
0x7e: {  	_ =	swait.ge [sflag:s28], $0x3400  }
0x7f: {  	[sflag:s28] =	ssyncset.done $0x0  }
0x80: {  	s11 =	sadd.s32 $0xFFFFFF98, s9;
	[sflag:s28] =	ssyncadd.s32 $0xFFFFCC00  }
0x81: {  	[tilespmem:s24], [sflag:$0x1] =	stream.indirect.gather [hbm4b:s5+s23], $0x80, s11, s23, $0xb8;
	[tilespmem:$0x1FCC0] =	vst v63  }
0x82: {  	_ =	swait.ge [sflag:s29], $0x3400  }
0x83: {  	[sflag:s29] =	ssyncset.done $0x0  }
.Ltmp1:
0x84: {  	s10 =	sadd.s32 $0x2880, s10;
	[sflag:s29] =	ssyncadd.s32 $0xFFFFCC00;
	(pc) =	sbr.rel @p1 .LBB2_4-.Ltmp1, $4  }
0x85: {  	[spmem:s3] =	stream.indirect.scatter.add.f32 [tilespmem:s25], [sflag:$0x4], $0x80, s10, s23, $0xb8;
	[tilespmem:$0x1FCC0] =	vst v63  }
0x86: {  	_ =	swait.ge [sflag:s30], $0x3400  }
0x87: {  	[sflag:s30] =	ssyncset.done $0x0  }
0x88: {  	s9 =	sadd.s32 $0xD0, s9;
	[sflag:s30] =	ssyncadd.s32 $0xFFFFCC00  }
0x89: {  	[tilespmem:s25], [sflag:$0x2] =	stream.indirect.gather [hbm4b:s5+s23], $0x80, s22, s23, $0xb8;
	[tilespmem:$0x1FCC0] =	vst v63  }
0x8a: {  	_ =	swait.ge [sflag:s26], $0x3400  }
0x8b: {  	[sflag:s26] =	ssyncset.done $0x0  }
0x8c: {  	[sflag:s26] =	ssyncadd.s32 $0xFFFFCC00  }
0x8d: {  	[spmem:s3] =	stream.indirect.scatter.add.f32 [tilespmem:s24], [sflag:$0x3], $0x80, s31, s23, $0xb8;
	[tilespmem:$0x1FCC0] =	vst v63  }
0x8e: {  	_ =	swait.ge [sflag:s28], $0x3400  }
0x8f: {  	[sflag:s28] =	ssyncset.done $0x0  }
0x90: {  	[sflag:s28] =	ssyncadd.s32 $0xFFFFCC00  }
0x91: {  	_ =	swait.ge [sflag:s29], $0x3400  }
0x92: {  	[sflag:s29] =	ssyncset.done $0x0  }
0x93: {  	[sflag:s29] =	ssyncadd.s32 $0xFFFFCC00  }
0x94: {  	[spmem:s3] =	stream.indirect.scatter.add.f32 [tilespmem:s25], [sflag:$0x4], $0x80, s2, s23, $0xb8;
	[tilespmem:$0x1FCC0] =	vst v63  }
0x95: {  	_ =	swait.ge [sflag:s30], $0x3400  }
0x96: {  	[sflag:s30] =	ssyncset.done $0x0  }
0x97: {  	[sflag:s30] =	ssyncadd.s32 $0xFFFFCC00  }
0x98: {  	[bflag:$0x0] =	sbarrier.arrive $0xFFFF  }
0x99: {  	[hbm:s14], [sflag:s8] =	dma.local [spmem:s19], $0x2700  }
0x9a: {  	_ =	swait.ge [sflag:s20], $0x2700  }
0x9b: {  	[sflag:s20] =	ssyncset.done $0x0  }
0x9c: {  	s7 =	simm.s32 @!p0 $0x5;
	[sflag:s20] =	ssyncadd.s32 $0xFFFFD900  }
0x9d: {  	[hbm:s15], [sflag:s8] =	dma.local @!p0 [spmem:s21], $0x100  }
0x9e: {  	_ =	swait.ge @!p0 [sflag:s7], $0x100  }
0x9f: {  	[sflag:s7] =	ssyncset.done @!p0 $0x0  }
0xa0: {  	[sflag:s7] =	ssyncadd.s32 @!p0 $0xFFFFFF00  }
0xa1: {  	s9 =	simm.s32 $0x0;
	[bflag:$0x0] =	sbarrier.arrive $0xFFFF  }
0xa2: {  	[tilespmem:s24], [sflag:$0x1] =	stream.indirect.gather [hbm4b:s6+s23], $0x80, s9, s23, $0xb8;
	[tilespmem:$0x1FCC0] =	vst v63  }
0xa3: {  	_ = 	snop  }
0xa4: {  	[tilespmem:s25], [sflag:$0x2] =	stream.indirect.gather [hbm4b:s6+s23], $0x80, s23, s23, $0xb8;
	[tilespmem:$0x1FCC0] =	vst v63  }
0xa5: {  	_ =	swait.ge [sflag:s26], $0x3400  }
0xa6: {  	[sflag:s26] =	ssyncset.done $0x0  }
0xa7: {  	s10 =	simm.s32 $0x2800;
	[sflag:s26] =	ssyncadd.s32 $0xFFFFCC00  }
0xa8: {  	[spmem:s3] =	stream.indirect.scatter.add.f32 [tilespmem:s24], [sflag:$0x3], $0x80, s10, s23, $0xb8;
	[tilespmem:$0x1FCC0] =	vst v63  }
0xa9: {  	_ =	swait.ge [sflag:s28], $0x3400  }
0xaa: {  	[sflag:s28] =	ssyncset.done $0x0  }
0xab: {  	s11 =	simm.s32 $0xD0;
	[sflag:s28] =	ssyncadd.s32 $0xFFFFCC00  }
0xac: {  	[tilespmem:s24], [sflag:$0x1] =	stream.indirect.gather [hbm4b:s6+s23], $0x80, s11, s23, $0xb8;
	[tilespmem:$0x1FCC0] =	vst v63  }
0xad: {  	_ =	swait.ge [sflag:s29], $0x3400  }
0xae: {  	[sflag:s29] =	ssyncset.done $0x0  }
0xaf: {  	s22 =	simm.s32 $0x2880;
	[sflag:s29] =	ssyncadd.s32 $0xFFFFCC00  }
0xb0: {  	[spmem:s3] =	stream.indirect.scatter.add.f32 [tilespmem:s25], [sflag:$0x4], $0x80, s22, s23, $0xb8;
	[tilespmem:$0x1FCC0] =	vst v63  }
0xb1: {  	_ =	swait.ge [sflag:s30], $0x3400  }
0xb2: {  	s7 =	simm.s32 $0x400;
	[sflag:s30] =	ssyncset.done $0x0  }
0xb3: {  	s9 =	simm.s32 $0x208;
	s22 =	simm.s32 $0x138;
	[sflag:s30] =	ssyncadd.s32 $0xFFFFCC00  }
.LBB2_6:
0xb4: {  	[tilespmem:s25], [sflag:$0x2] =	stream.indirect.gather [hbm4b:s6+s23], $0x80, s22, s23, $0xb8;
	[tilespmem:$0x1FCC0] =	vst v63  }
0xb5: {  	s10 =	smov.u32 s7;
	s22 =	smov.u32 s9  }
0xb6: {  	p1 =	sne.s32 s7, $0xBC00;
	s7 =	sadd.s32 $0x400, s7;
	_ =	swait.ge [sflag:s26], $0x3400  }
0xb7: {  	s10 =	sshra.s32 s10, $0x2;
	[sflag:s26] =	ssyncset.done $0x0  }
0xb8: {  	s11 =	sadd.s32 $0x2800, s10;
	[sflag:s26] =	ssyncadd.s32 $0xFFFFCC00  }
0xb9: {  	[spmem:s3] =	stream.indirect.scatter.add.f32 [tilespmem:s24], [sflag:$0x3], $0x80, s11, s23, $0xb8;
	[tilespmem:$0x1FCC0] =	vst v63  }
0xba: {  	_ =	swait.ge [sflag:s28], $0x3400  }
0xbb: {  	[sflag:s28] =	ssyncset.done $0x0  }
0xbc: {  	s11 =	sadd.s32 $0xFFFFFF98, s9;
	[sflag:s28] =	ssyncadd.s32 $0xFFFFCC00  }
0xbd: {  	[tilespmem:s24], [sflag:$0x1] =	stream.indirect.gather [hbm4b:s6+s23], $0x80, s11, s23, $0xb8;
	[tilespmem:$0x1FCC0] =	vst v63  }
0xbe: {  	_ =	swait.ge [sflag:s29], $0x3400  }
0xbf: {  	[sflag:s29] =	ssyncset.done $0x0  }
.Ltmp2:
0xc0: {  	s10 =	sadd.s32 $0x2880, s10;
	[sflag:s29] =	ssyncadd.s32 $0xFFFFCC00;
	(pc) =	sbr.rel @p1 .LBB2_6-.Ltmp2, $4  }
0xc1: {  	[spmem:s3] =	stream.indirect.scatter.add.f32 [tilespmem:s25], [sflag:$0x4], $0x80, s10, s23, $0xb8;
	[tilespmem:$0x1FCC0] =	vst v63  }
0xc2: {  	_ =	swait.ge [sflag:s30], $0x3400  }
0xc3: {  	[sflag:s30] =	ssyncset.done $0x0  }
0xc4: {  	s9 =	sadd.s32 $0xD0, s9;
	[sflag:s30] =	ssyncadd.s32 $0xFFFFCC00  }
0xc5: {  	[tilespmem:s25], [sflag:$0x2] =	stream.indirect.gather [hbm4b:s6+s23], $0x80, s22, s23, $0xb8;
	[tilespmem:$0x1FCC0] =	vst v63  }
0xc6: {  	_ =	swait.ge [sflag:s26], $0x3400  }
0xc7: {  	[sflag:s26] =	ssyncset.done $0x0  }
0xc8: {  	[sflag:s26] =	ssyncadd.s32 $0xFFFFCC00  }
0xc9: {  	[spmem:s3] =	stream.indirect.scatter.add.f32 [tilespmem:s24], [sflag:$0x3], $0x80, s31, s23, $0xb8;
	[tilespmem:$0x1FCC0] =	vst v63  }
0xca: {  	_ =	swait.ge [sflag:s28], $0x3400  }
0xcb: {  	[sflag:s28] =	ssyncset.done $0x0  }
0xcc: {  	[sflag:s28] =	ssyncadd.s32 $0xFFFFCC00  }
0xcd: {  	_ =	swait.ge [sflag:s29], $0x3400  }
0xce: {  	[sflag:s29] =	ssyncset.done $0x0  }
0xcf: {  	[sflag:s29] =	ssyncadd.s32 $0xFFFFCC00  }
0xd0: {  	[spmem:s3] =	stream.indirect.scatter.add.f32 [tilespmem:s25], [sflag:$0x4], $0x80, s2, s23, $0xb8;
	[tilespmem:$0x1FCC0] =	vst v63  }
0xd1: {  	_ =	swait.ge [sflag:s30], $0x3400  }
0xd2: {  	[sflag:s30] =	ssyncset.done $0x0  }
0xd3: {  	[sflag:s30] =	ssyncadd.s32 $0xFFFFCC00  }
0xd4: {  	[bflag:$0x0] =	sbarrier.arrive $0xFFFF  }
0xd5: {  	[hbm:s16], [sflag:s8] =	dma.local [spmem:s19], $0x2700  }
0xd6: {  	s0 =	sadd.s32 $0x1, s0;
	_ =	swait.ge [sflag:s20], $0x2700  }
0xd7: {  	p1 =	sne.s32 s0, s18;
	[sflag:s20] =	ssyncset.done $0x0  }
.Ltmp3:
0xd8: {  	s7 =	simm.s32 @!p0 $0x5;
	[sflag:s20] =	ssyncadd.s32 $0xFFFFD900;
	(pc) =	sbr.rel @p1 .LBB2_1-.Ltmp3, $4  }
0xd9: {  	[hbm:s17], [sflag:s8] =	dma.local @!p0 [spmem:s21], $0x100  }
0xda: {  	_ =	swait.ge @!p0 [sflag:s7], $0x100  }
0xdb: {  	[sflag:s7] =	ssyncset.done @!p0 $0x0  }
0xdc: {  	[sflag:s7] =	ssyncadd.s32 @!p0 $0xFFFFFF00  }
0xdd: {  	_ =	sfence.sel $0x180000  }
0xde: {  	[bflag:$0x0] =	sbarrier.arrive $0xFFFF  }
0xdf: {  	_ =	strace $0x90000047  }
0xe0: {  	s0 =	stileid.u32;
	[bflag:$0x2] =	sbarrier.arrive $0xFFFF  }
0xe1: {  	p0 =	sne.s32 s0, $0x0;
	s0 =	rddreg [dreg:$0x3]  }
0xe2: {  	s0 =	sadd.s32 @!p0 $0x100000, s0  }
0xe3: {  	[sflag:s0] =	ssyncadd.tile.s32 @!p0 $0x1;
	_ =	shalt  }
.Lfunc_end2:
_tile_overlayer_lowered:
.L_overlay_start_2:
0xe4: {  	(tag) =	ssettag $0x2  }
0xe5: {  	s0 =	rddreg [dreg:$0x0];
	s2 =	stileid.u32  }
0xe6: {  	s1 =	rddreg [dreg:$0x1];
	p0 =	sne.s32 s2, $0x0  }
0xe7: {  	s3 =	rddreg [dreg:$0x2];
	[bflag:$0x3] =	sbarrier.arrive $0xFFFF;
	s2 =	simm.s32 @!p0 $0x1C05  }
0xe8: {  	[timem:s3], [sflag:s2] =	dma.local @!p0 [hbm:s0], s1  }
0xe9: {  	s0 =	simm.s32 @!p0 $0x5  }
0xea: {  	_ =	swait.ge @!p0 [sflag:s0], s1  }
0xeb: {  	s1 =	ssub.s32 @!p0 $0x0, s1;
	[sflag:s0] =	ssyncset.done @!p0 $0x0  }
0xec: {  	[sflag:s0] =	ssyncadd.s32 @!p0 s1  }
0xed: {  	[bflag:$0x3] =	sbarrier.arrive $0xFFFF  }
0xee: {  	_ =	shalt  }

// kernel: kernel.9.cloned.1.call-start
scs
__scs_entry_jumppad:
0x0: {  	(pc) =	sbr.rel $0x88, $3  }
0x1: {  	(tag) =	ssettag $0x0;
	lr =	simm.s32 $0x1  }
0x2: {  	[smem:$0x3F9B] =	sst lr;
	_ =	strace $0xD0000000  }
0x3: {  	_ = 	snop  }
0x4: {  	_ = 	snop  }
0x5: {  	_ = 	snop  }
0x6: {  	_ = 	snop  }
0x7: {  	_ = 	snop  }
__scs_overlays_trampoline_lowered:
0x8: {  	[smem:$0x3FAA] =	sst s0  }
0x9: {  	[smem:$0x3FAB] =	sst s1  }
0xa: {  	[smem:$0x3FAC] =	sst s2  }
0xb: {  	[smem:$0x3FAD] =	sst s3  }
0xc: {  	[smem:$0x3FAE] =	sst s4  }
0xd: {  	[smem:$0x3FAF] =	sst s5  }
0xe: {  	[smem:$0x3FB0] =	sst s6  }
0xf: {  	[smem:$0x3FB1] =	sst s7  }
0x10: {  	[smem:$0x3FB2] =	sst s8  }
0x11: {  	[smem:$0x3FB3] =	sst s9;
	s0 =	simm.s32 @!p0 $0x0  }
0x12: {  	s1 =	sld [smem:$0x3F99];
	s0 =	simm.s32 @p0 $0x1  }
0x13: {  	[smem:$0x3FB4] =	sst s0;
	s0 =	simm.s32 @!p1 $0x0  }
0x14: {  	s2 =	sld [smem:$0x3F98];
	s0 =	simm.s32 @p1 $0x1  }
0x15: {  	[smem:$0x3FB5] =	sst s0;
	s0 =	simm.s32 @!p2 $0x0  }
0x16: {  	s3 =	sld [smem:$0x3FDB];
	s0 =	simm.s32 @p2 $0x1  }
0x17: {  	s4 =	simm.s32 $0x1BF5;
	[smem:$0x3FB7] =	sst s0  }
0x18: {  	s0 =	sld [smem:$0x3F9A];
	_ =	swait.ge [sflag:s4], $0x0  }
0x19: {  	s7 =	sld [smem:$0x3F9B]  }
0x1a: {  	s8 =	sadd.s32 $0xFFFFE003, lr  }
0x1b: {  	s9 =	sadd.s32 $0xFFFFFEF7, lr;
	s5 =	simm.s32 $0xFFFFFFFF;
	p2 =	slt.u32 s8, $0xFFFFF086  }
0x1c: {  	p1 =	slt.u32 s9, $0xF7A;
	s5 =	simm.s32 @!p2 $0x0  }
0x1d: {  	s5 =	simm.s32 @p1 $0x1;
	p0 =	seq.s32 s7, s2  }
0x1e: {  	s7 =	smul.u32 @!p0 $0xF7A, s2;
	p2 =	seq.s32 @!p0 s5, $0x0  }
0x1f: {  	s9 =	smul.u32 $0xF7A, s1;
	s8 =	simm.s32 @!p0 $0x1BF5;
	p2 =	por !p2, p0  }
0x20: {  	[sflag:s8] =	ssyncset.s32 @!p0 $0xFFFFF086;
	s6 =	sadd.s32 @!p0 s3, s7;
	s7 =	simm.s32 @!p0 $0x108  }
0x21: {  	s3 =	sadd.s32 s3, s9;
	s6 =	sadd.s32 @!p0 $0x88, s6;
	s7 =	simm.s32 @p2 $0x1082  }
0x22: {  	[simem:s7], [sflag:s8] =	dma.local @!p0 [hbm:s6], $0xF7A  }
0x23: {  	s9 =	sor.u32 $0xD0000000, s2;
	s6 =	simm.s32 $0x108;
	_ =	swait.ge @!p0 [sflag:s8], $0x0  }
0x24: {  	s3 =	sadd.s32 $0x88, s3;
	s6 =	simm.s32 @!p1 $0x1082;
	[sflag:s4] =	ssyncset.s32 $0xFFFFF086  }
0x25: {  	[simem:s6], [sflag:s4] =	dma.local [hbm:s3], $0xF7A  }
0x26: {  	[smem:$0x3F9B] =	sst s1;
	(tag) =	ssettag s2;
	_ =	strace s9  }
0x27: {  	s1 =	sld [smem:$0x3FAB]  }
0x28: {  	s2 =	sld [smem:$0x3FAC]  }
0x29: {  	s4 =	sld [smem:$0x3FAE]  }
0x2a: {  	p0 =	seq.s32 s5, $0x0;
	s5 =	sld [smem:$0x3FAF]  }
0x2b: {  	s6 =	sld [smem:$0x3FB0]  }
0x2c: {  	s7 =	sld [smem:$0x3FB1]  }
0x2d: {  	s3 =	simm.s32 $0x108;
	s8 =	sld [smem:$0x3FB2]  }
0x2e: {  	s3 =	simm.s32 @!p0 $0x1082;
	s9 =	sld [smem:$0x3FB3]  }
0x2f: {  	lr =	sadd.s32 s0, s3;
	s0 =	sld [smem:$0x3FAA]  }
0x30: {  	s3 =	sld [smem:$0x3FAD]  }
0x31: {  	[smem:$0x3FB6] =	sst s10  }
0x32: {  	s10 =	sld [smem:$0x3FB4];
	_ =	sdelay $0x3  }
0x33: {  	p0 =	seq.s32 s10, $0x1;
	s10 =	sld [smem:$0x3FB6];
	_ =	sdelay $0x3  }
0x34: {  	[smem:$0x3FB6] =	sst s10  }
0x35: {  	s10 =	sld [smem:$0x3FB5];
	_ =	sdelay $0x3  }
0x36: {  	p1 =	seq.s32 s10, $0x1;
	s10 =	sld [smem:$0x3FB6];
	_ =	sdelay $0x3  }
0x37: {  	[smem:$0x3FB6] =	sst s10  }
0x38: {  	s10 =	sld [smem:$0x3FB7]  }
0x39: {  	_ = 	snop;
	(pc) =	sbr.ind lr, $3  }
0x3a: {  	_ = 	snop  }
0x3b: {  	_ = 	snop  }
0x3c: {  	p2 =	seq.s32 s10, $0x1;
	s10 =	sld [smem:$0x3FB6]  }
0x3d: {  	_ =	shalt  }
0x3e: {  	_ =	shalt  }
0x3f: {  	_ =	shalt  }
0x40: {  	_ =	shalt  }
0x41: {  	_ =	shalt  }
0x42: {  	_ =	shalt  }
0x43: {  	_ =	shalt  }
0x44: {  	_ =	shalt  }
0x45: {  	_ =	shalt  }
0x46: {  	_ =	shalt  }
0x47: {  	_ =	shalt  }
0x48: {  	_ =	shalt  }
0x49: {  	_ =	shalt  }
0x4a: {  	_ =	shalt  }
0x4b: {  	_ =	shalt  }
0x4c: {  	_ =	shalt  }
0x4d: {  	_ =	shalt  }
0x4e: {  	_ =	shalt  }
0x4f: {  	_ =	shalt  }
0x50: {  	_ =	shalt  }
0x51: {  	_ =	shalt  }
0x52: {  	_ =	shalt  }
0x53: {  	_ =	shalt  }
0x54: {  	_ =	shalt  }
0x55: {  	_ =	shalt  }
0x56: {  	_ =	shalt  }
0x57: {  	_ =	shalt  }
0x58: {  	_ =	shalt  }
0x59: {  	_ =	shalt  }
0x5a: {  	_ =	shalt  }
0x5b: {  	_ =	shalt  }
0x5c: {  	_ =	shalt  }
0x5d: {  	_ =	shalt  }
0x5e: {  	_ =	shalt  }
0x5f: {  	_ =	shalt  }
0x60: {  	_ =	shalt  }
0x61: {  	_ =	shalt  }
0x62: {  	_ =	shalt  }
0x63: {  	_ =	shalt  }
0x64: {  	_ =	shalt  }
0x65: {  	_ =	shalt  }
0x66: {  	_ =	shalt  }
0x67: {  	_ =	shalt  }
0x68: {  	_ =	shalt  }
0x69: {  	_ =	shalt  }
0x6a: {  	_ =	shalt  }
0x6b: {  	_ =	shalt  }
0x6c: {  	_ =	shalt  }
0x6d: {  	_ =	shalt  }
0x6e: {  	_ =	shalt  }
0x6f: {  	_ =	shalt  }
0x70: {  	_ =	shalt  }
0x71: {  	_ =	shalt  }
0x72: {  	_ =	shalt  }
0x73: {  	_ =	shalt  }
0x74: {  	_ =	shalt  }
0x75: {  	_ =	shalt  }
0x76: {  	_ =	shalt  }
0x77: {  	_ =	shalt  }
0x78: {  	_ =	shalt  }
0x79: {  	_ =	shalt  }
0x7a: {  	_ =	shalt  }
0x7b: {  	_ =	shalt  }
0x7c: {  	_ =	shalt  }
0x7d: {  	_ =	shalt  }
0x7e: {  	_ =	shalt  }
0x7f: {  	_ =	shalt  }
0x80: {  	_ =	shalt  }
0x81: {  	_ =	shalt  }
0x82: {  	_ =	shalt  }
0x83: {  	_ =	shalt  }
0x84: {  	_ =	shalt  }
0x85: {  	_ =	shalt  }
0x86: {  	_ =	shalt  }
0x87: {  	_ =	shalt  }
.Lfunc_end0:
.L_simem_size_0:
called_computation.1_lowered:
.L_overlay_start_0:
0x88: {  	s2 =	sld [smem:$0x3FD9]  }
0x89: {  	s3 =	sld [smem:$0x3FFE];
	_ =	sdelay $0x1  }
0x8a: {  	s1 =	srdreg.scid  }
0x8b: {  	s0 =	sand.u32 $0x1, s1  }
0x8c: {  	s15 =	sshll.u32 s0, $0xA;
	s2 =	sadd.s32 s3, s2  }
0x8d: {  	s2 =	sadd.s32 s2, s15  }
0x8e: {  	[smem:$0x3FC2] =	sst s2  }
0x8f: {  	_ = 	snop  }
0x90: {  	s2 =	sld [smem:$0x3FD0];
	_ =	sdelay $0x2  }
0x91: {  	s16 =	simm.s32 $0xB;
	s4 =	simm.s32 $0x10  }
0x92: {  	[smem:s4], [sflag:s16] =	dma.local [hbm:s2], $0x1  }
0x93: {  	_ =	swait.eq [sflag:s16], $0x1  }
0x94: {  	[sflag:s16] =	ssyncset.done $0x0  }
0x95: {  	[sflag:s16] =	ssyncadd.s32 $0xFFFFFFFF  }
0x96: {  	s17 =	sld [smem:$0x11];
	(tm) =	ssettm $0x1  }
0x97: {  	s18 =	sld [smem:$0x3FFB];
	_ =	sdelay $0x3  }
0x98: {  	_ =	strace s18  }
0x99: {  	s2 =	sld [smem:$0x3FFC];
	_ =	sdelay $0x3  }
0x9a: {  	_ =	strace s2  }
0x9b: {  	s2 =	sld [smem:$0x3FFD];
	_ =	sdelay $0x3  }
0x9c: {  	_ =	strace s2  }
0x9d: {  	_ =	strace $0x8FFFFFFF  }
0x9e: {  	s19 =	sld [smem:$0x3FDB];
	_ =	sdelay $0x1  }
0x9f: {  	s20 =	simm.s32 $_scs_section_size  }
0xa0: {  	s5 =	simm.s32 $_size__tile_overlayer_lowered;
	s6 =	simm.s32 $_tile_overlayer_lowered  }
0xa1: {  	s7 =	simm.s32 $0x1BFF;
	s21 =	sshll.u32 s6, $0x1;
	s4 =	sadd.s32 s20, s19  }
0xa2: {  	s22 =	simm.s32 $0x0;
	s5 =	sshll.u32 s5, $0x1;
	s6 =	sadd.s32 s21, s4  }
0xa3: {  	[timem:s22], [sflag:s7] =	dma.local [hbm:s6], s5  }
0xa4: {  	_ =	swait.ge [sflag:s7], s5  }
0xa5: {  	s5 =	ssub.s32 $0x0, s5;
	[sflag:s7] =	ssyncset.done $0x0  }
0xa6: {  	[sflag:s7] =	ssyncadd.s32 s5;
	_ =	sdelay $0x1  }
0xa7: {  	s23 =	simm.s32 $0x1B8B  }
0xa8: {  	_ =	swait.ge [sflag:s23], $0x1  }
0xa9: {  	[sflag:s23] =	ssyncset.done $0x0  }
0xaa: {  	[sflag:s23] =	ssyncadd.s32 $0xFFFFFFFF  }
0xab: {  	s5 =	sld [smem:$0x0]  }
0xac: {  	s6 =	sand.u32 $0xFFFFFFFE, s1  }
0xad: {  	p0 =	sne.s32 s1, s6  }
0xae: {  	s6 =	sshll.u32 @p0 s6, $0xE  }
0xaf: {  	s6 =	sadd.s32 @p0 $0x11B8D, s6;
	s7 =	sshll.u32 @p0 s5, $0x11  }
0xb0: {  	s6 =	sor.u32 @p0 s7, s6  }
0xb1: {  	[sflag:s6] =	ssyncadd.remote.s32 @p0 $0x1;
	_ =	sdelay $0x1  }
0xb2: {  	s6 =	simm.s32 @p0 $0x1B8D  }
0xb3: {  	_ =	swait.eq @p0 [sflag:s6], $0x1  }
0xb4: {  	[sflag:s6] =	ssyncadd.s32 @p0 $0xFFFFFFFF  }
0xb5: {  	s7 =	sshll.u32 @!p0 s1, $0xE  }
0xb6: {  	s7 =	sor.u32 @!p0 $0x4000, s7;
	s6 =	simm.s32 @!p0 $0x1B8D  }
0xb7: {  	s5 =	sshll.u32 @!p0 s5, $0x11;
	s7 =	sadd.s32 @!p0 $0x11B8D, s7;
	_ =	swait.eq @!p0 [sflag:s6], $0x1  }
0xb8: {  	s5 =	sor.u32 @!p0 s5, s7;
	[sflag:s6] =	ssyncadd.s32 @!p0 $0xFFFFFFFF  }
0xb9: {  	s25 =	simm.s32 $0x1B8E;
	s24 =	sld [smem:$0x3FFE];
	[sflag:s5] =	ssyncadd.remote.s32 @!p0 $0x1  }
0xba: {  	s26 =	simm.s32 $execute0_lowered;
	[smem:$0x3FD2] =	sst s25  }
0xbb: {  	s6 =	sshll.u32 s26, $0x1;
	_ =	strace $0x80000049;
	[dreg:$0x1] =	wrdreg $0xFFFFFFFF  }
0xbc: {  	s28 =	simm.s32 $_size_execute0_lowered;
	s4 =	sadd.s32 s4, s6;
	[dreg:$0x0] =	wrdreg $0x0  }
0xbd: {  	s6 =	sshll.u32 s28, $0x1;
	[dreg:$0x2] =	wrdreg s4  }
0xbe: {  	[dreg:$0x3] =	wrdreg s6  }
0xbf: {  	[dreg:$0x4] =	wrdreg $0xC0  }
0xc0: {  	_ =	task [dreg:s22], $0x5FFFF  }
0xc1: {  	[dreg:$0x1] =	wrdreg $0xFFFFFFFF  }
0xc2: {  	[dreg:$0x0] =	wrdreg $0x60  }
0xc3: {  	[dreg:$0x2] =	wrdreg s17  }
0xc4: {  	[dreg:$0x3] =	wrdreg s24  }
0xc5: {  	[dreg:$0x4] =	wrdreg $0xC4000  }
0xc6: {  	[dreg:$0x5] =	wrdreg $0xA  }
0xc7: {  	_ =	task.clear_ibuf [dreg:s22], $0x6FFFF;
	_ =	strace $0x90000049  }
0xc8: {  	s29 =	simm.s32 $0xA;
	_ =	strace $0x8000004B  }
0xc9: {  	_ =	swait.ge [sflag:s29], $0x1  }
0xca: {  	[sflag:s29] =	ssyncadd.s32 $0xFFFFFFFF  }
0xcb: {  	_ =	strace $0x9000004B  }
0xcc: {  	_ =	sfence  }
0xcd: {  	s30 =	sld [smem:$0x0];
	_ =	sdelay $0x2  }
0xce: {  	s31 =	sshll.u32 s1, $0xD;
	s1 =	sshrl.u32 s1, $0x2  }
0xcf: {  	s4 =	sand.u32 $0x4000, s31;
	s1 =	sadd.s32 s1, s30  }
0xd0: {  	s0 =	sor.u32 s4, s0;
	s1 =	sshll.u32 s1, $0x11  }
0xd1: {  	s0 =	sor.u32 s1, s0  }
0xd2: {  	s0 =	sadd.s32 $0x8F2B, s0  }
0xd3: {  	[sflag:s0] =	ssyncadd.remote.s32 $0x1  }
0xd4: {  	_ =	sfence.sel $0xFFFF  }
0xd5: {  	[dreg:$0x0] =	wrdreg $0xFFFFFFFF;
	(pc) =	sbr.abs _section_cstart, $3  }
0xd6: {  	[dreg:$0x1] =	wrdreg $0xFFFFFFFF  }
0xd7: {  	_ =	task.clear_ibuf [dreg:s22], $0x2FFFF;
	_ =	strace $0x9FFFFFFF  }
0xd8: {  	(tm) =	ssettm $0x7FFFFFFF  }
0xd9: {  	_ =	shalt  }
tec
execute0_lowered:
.L_overlay_start_1:
0x0: {  	(tag) =	ssettag $0x1  }
0x1: {  	s1 =	rddreg [dreg:$0x0]  }
0x2: {  	s0 =	srdreg.scid;
	s2 =	rddreg [dreg:$0x1]  }
0x3: {  	s20 =	stileid.u32;
	s3 =	rddreg [dreg:$0x2];
	s28 =	simm.s32 $0x3  }
0x4: {  	s29 =	simm.s32 $0x2;
	s30 =	simm.s32 $0x4;
	s6 =	smul.u32 $0x680, s20  }
0x5: {  	s31 =	simm.s32 $0x5800;
	s0 =	sand.u32 $0x1, s0;
	s8 =	smul.u32 $0x4E000, s20  }
0x6: {  	s12 =	smul.u32 $0x270, s20;
	s24 =	sshll.u32 s20, $0x6;
	s21 =	sadd.s32 $0x138000, s3  }
0x7: {  	p0 =	sne.s32 s20, $0xF;
	s4 =	sshll.u32 s0, $0x4;
	s10 =	smul.u32 $0x2710, s0  }
0x8: {  	s11 =	ssub.s32 $0x2, s0;
	s0 =	smul.u32 $0x138800, s0;
	s21 =	sshrl.u32 @!p0 s21, $0x3  }
0x9: {  	s5 =	sor.u32 s20, s4;
	s4 =	simm.s32 $0x0;
	s9 =	sadd.s32 s6, s2  }
0xa: {  	s6 =	sadd.s32 $0x15A600, s2;
	s13 =	sshrl.u32 s11, $0x1;
	s8 =	sshrl.u32 s8, $0x2  }
0xb: {  	s20 =	simm.s32 $0x5;
	s5 =	smul.u32 $0x4FA, s5;
	[smem:$0x7FF] =	sst s4  }
0xc: {  	s18 =	ssub.s32 s11, s13;
	s10 =	sadd.s32 s12, s10;
	s19 =	sadd.s32 s8, s3  }
0xd: {  	s0 =	sshrl.u32 s0, $0x3;
	s8 =	sor.u32 $0x1C05, s24;
	s26 =	sadd.s32 $0x105C00, s9  }
0xe: {  	s24 =	simm.s32 $0x5C00;
	_ =	strace $0x8000004A;
	s16 =	sshll.u32 s10, $0x4  }
0xf: {  	s0 =	sadd.s32 $0x27000, s0;
	[dreg:$0x7] =	wrdreg s26;
	s18 =	smax.u32 s18, $0x1  }
0x10: {  	s19 =	sshrl.u32 s19, $0x3;
	s26 =	simm.s32 $0x1;
	s7 =	sadd.s32 s5, s2  }
0x11: {  	s5 =	sadd.s32 $0x10C400, s2;
	s2 =	sadd.s32 $0x1A8800, s2;
	s23 =	sadd.s32 s1, s16  }
0x12: {  	s25 =	sadd.s32 s1, s0;
	s14 =	sadd.s32 s6, s16;
	[dreg:$0x4] =	wrdreg s23  }
0x13: {  	s15 =	sadd.s32 s6, s0;
	[dreg:$0x5] =	wrdreg s25;
	s7 =	sadd.s32 $0xFBC00, s7  }
0x14: {  	s12 =	sadd.s32 s5, s16;
	s13 =	sadd.s32 s5, s0;
	s16 =	sadd.s32 s2, s16  }
0x15: {  	s17 =	sadd.s32 s2, s0;
	s23 =	simm.s32 $0x68;
	s25 =	simm.s32 $0x9000  }
0x16: {  	s2 =	simm.s32 $0x5880;
	s0 =	simm.s32 $0x0;
	[dreg:$0x6] =	wrdreg s7  }
.LBB2_1:
0x17: {  	s7 =	rddreg [dreg:$0x4]  }
0x18: {  	[spmem:s19], [sflag:s8] =	dma.local [hbm:s7], $0x2700  }
0x19: {  	_ =	swait.ge [sflag:s20], $0x2700  }
0x1a: {  	[sflag:s20] =	ssyncset.done $0x0  }
0x1b: {  	s7 =	rddreg [dreg:$0x5];
	[sflag:s20] =	ssyncadd.s32 $0xFFFFD900  }
0x1c: {  	[spmem:s21], [sflag:s8] =	dma.local @!p0 [hbm:s7], $0x100  }
0x1d: {  	s7 =	simm.s32 @!p0 $0x5  }
0x1e: {  	_ =	swait.ge @!p0 [sflag:s7], $0x100  }
0x1f: {  	[sflag:s7] =	ssyncset.done @!p0 $0x0  }
0x20: {  	s11 =	rddreg [dreg:$0x6];
	[sflag:s7] =	ssyncadd.s32 @!p0 $0xFFFFFF00  }
0x21: {  	[tilespmem:s4], [sflag:$0x5] =	stream.linear.gather [hbm4b:s11+s4], $0x27D0, $0x38;
	[tilespmem:$0x1FCC0] =	vst v63  }
0x22: {  	_ =	swait.ge [sflag:s20], $0x27D0  }
0x23: {  	[sflag:s20] =	ssyncset.done $0x0  }
0x24: {  	s9 =	simm.s32 $0x2800;
	s22 =	rddreg [dreg:$0x7];
	[sflag:s20] =	ssyncadd.s32 $0xFFFFD830  }
0x25: {  	[tilespmem:s9], [sflag:$0x5] =	stream.linear.gather [hbm4b:s22+s4], $0x3100, $0x38;
	[tilespmem:$0x1FCC0] =	vst v63  }
0x26: {  	_ =	swait.ge [sflag:s20], $0x3100  }
0x27: {  	[sflag:s20] =	ssyncset.done $0x0  }
0x28: {  	[sflag:s20] =	ssyncadd.s32 $0xFFFFCF00  }
0x29: {  	[bflag:$0x0] =	sbarrier.arrive $0xFFFF  }
0x2a: {  	[tilespmem:s24], [sflag:$0x1] =	stream.indirect.gather [hbm4b:s1+s23], $0x80, s4, s23, $0xb8;
	[tilespmem:$0x1FCC0] =	vst v63  }
0x2b: {  	_ = 	snop  }
0x2c: {  	[tilespmem:s25], [sflag:$0x2] =	stream.indirect.gather [hbm4b:s1+s23], $0x80, s23, s23, $0xb8;
	[tilespmem:$0x1FCC0] =	vst v63  }
0x2d: {  	_ =	swait.ge [sflag:s26], $0x3400  }
0x2e: {  	[sflag:s26] =	ssyncset.done $0x0  }
0x2f: {  	s10 =	simm.s32 $0x2800;
	[sflag:s26] =	ssyncadd.s32 $0xFFFFCC00  }
0x30: {  	[spmem:s3] =	stream.indirect.scatter.add.f32 [tilespmem:s24], [sflag:$0x3], $0x80, s10, s23, $0xb8;
	[tilespmem:$0x1FCC0] =	vst v63  }
0x31: {  	_ =	swait.ge [sflag:s28], $0x3400  }
0x32: {  	[sflag:s28] =	ssyncset.done $0x0  }
0x33: {  	s11 =	simm.s32 $0xD0;
	[sflag:s28] =	ssyncadd.s32 $0xFFFFCC00  }
0x34: {  	[tilespmem:s24], [sflag:$0x1] =	stream.indirect.gather [hbm4b:s1+s23], $0x80, s11, s23, $0xb8;
	[tilespmem:$0x1FCC0] =	vst v63  }
0x35: {  	_ =	swait.ge [sflag:s29], $0x3400  }
0x36: {  	[sflag:s29] =	ssyncset.done $0x0  }
0x37: {  	s22 =	simm.s32 $0x2880;
	[sflag:s29] =	ssyncadd.s32 $0xFFFFCC00  }
0x38: {  	[spmem:s3] =	stream.indirect.scatter.add.f32 [tilespmem:s25], [sflag:$0x4], $0x80, s22, s23, $0xb8;
	[tilespmem:$0x1FCC0] =	vst v63  }
0x39: {  	_ =	swait.ge [sflag:s30], $0x3400  }
0x3a: {  	s7 =	simm.s32 $0x400;
	[sflag:s30] =	ssyncset.done $0x0  }
0x3b: {  	s9 =	simm.s32 $0x208;
	s22 =	simm.s32 $0x138;
	[sflag:s30] =	ssyncadd.s32 $0xFFFFCC00  }
.LBB2_2:
0x3c: {  	[tilespmem:s25], [sflag:$0x2] =	stream.indirect.gather [hbm4b:s1+s23], $0x80, s22, s23, $0xb8;
	[tilespmem:$0x1FCC0] =	vst v63  }
0x3d: {  	s10 =	smov.u32 s7;
	s22 =	smov.u32 s9  }
0x3e: {  	p1 =	sne.s32 s7, $0xBC00;
	s7 =	sadd.s32 $0x400, s7;
	_ =	swait.ge [sflag:s26], $0x3400  }
0x3f: {  	s10 =	sshra.s32 s10, $0x2;
	[sflag:s26] =	ssyncset.done $0x0  }
0x40: {  	s11 =	sadd.s32 $0x2800, s10;
	[sflag:s26] =	ssyncadd.s32 $0xFFFFCC00  }
0x41: {  	[spmem:s3] =	stream.indirect.scatter.add.f32 [tilespmem:s24], [sflag:$0x3], $0x80, s11, s23, $0xb8;
	[tilespmem:$0x1FCC0] =	vst v63  }
0x42: {  	_ =	swait.ge [sflag:s28], $0x3400  }
0x43: {  	[sflag:s28] =	ssyncset.done $0x0  }
0x44: {  	s11 =	sadd.s32 $0xFFFFFF98, s9;
	[sflag:s28] =	ssyncadd.s32 $0xFFFFCC00  }
0x45: {  	[tilespmem:s24], [sflag:$0x1] =	stream.indirect.gather [hbm4b:s1+s23], $0x80, s11, s23, $0xb8;
	[tilespmem:$0x1FCC0] =	vst v63  }
0x46: {  	_ =	swait.ge [sflag:s29], $0x3400  }
0x47: {  	[sflag:s29] =	ssyncset.done $0x0  }
.Ltmp0:
0x48: {  	s10 =	sadd.s32 $0x2880, s10;
	[sflag:s29] =	ssyncadd.s32 $0xFFFFCC00;
	(pc) =	sbr.rel @p1 .LBB2_2-.Ltmp0, $4  }
0x49: {  	[spmem:s3] =	stream.indirect.scatter.add.f32 [tilespmem:s25], [sflag:$0x4], $0x80, s10, s23, $0xb8;
	[tilespmem:$0x1FCC0] =	vst v63  }
0x4a: {  	_ =	swait.ge [sflag:s30], $0x3400  }
0x4b: {  	[sflag:s30] =	ssyncset.done $0x0  }
0x4c: {  	s9 =	sadd.s32 $0xD0, s9;
	[sflag:s30] =	ssyncadd.s32 $0xFFFFCC00  }
0x4d: {  	[tilespmem:s25], [sflag:$0x2] =	stream.indirect.gather [hbm4b:s1+s23], $0x80, s22, s23, $0xb8;
	[tilespmem:$0x1FCC0] =	vst v63  }
0x4e: {  	_ =	swait.ge [sflag:s26], $0x3400  }
0x4f: {  	[sflag:s26] =	ssyncset.done $0x0  }
0x50: {  	[sflag:s26] =	ssyncadd.s32 $0xFFFFCC00  }
0x51: {  	[spmem:s3] =	stream.indirect.scatter.add.f32 [tilespmem:s24], [sflag:$0x3], $0x80, s31, s23, $0xb8;
	[tilespmem:$0x1FCC0] =	vst v63  }
0x52: {  	_ =	swait.ge [sflag:s28], $0x3400  }
0x53: {  	[sflag:s28] =	ssyncset.done $0x0  }
0x54: {  	[sflag:s28] =	ssyncadd.s32 $0xFFFFCC00  }
0x55: {  	_ =	swait.ge [sflag:s29], $0x3400  }
0x56: {  	[sflag:s29] =	ssyncset.done $0x0  }
0x57: {  	[sflag:s29] =	ssyncadd.s32 $0xFFFFCC00  }
0x58: {  	[spmem:s3] =	stream.indirect.scatter.add.f32 [tilespmem:s25], [sflag:$0x4], $0x80, s2, s23, $0xb8;
	[tilespmem:$0x1FCC0] =	vst v63  }
0x59: {  	_ =	swait.ge [sflag:s30], $0x3400  }
0x5a: {  	[sflag:s30] =	ssyncset.done $0x0  }
0x5b: {  	[sflag:s30] =	ssyncadd.s32 $0xFFFFCC00  }
0x5c: {  	[bflag:$0x0] =	sbarrier.arrive $0xFFFF  }
0x5d: {  	[hbm:s12], [sflag:s8] =	dma.local [spmem:s19], $0x2700  }
0x5e: {  	_ =	swait.ge [sflag:s20], $0x2700  }
0x5f: {  	[sflag:s20] =	ssyncset.done $0x0  }
0x60: {  	s7 =	simm.s32 @!p0 $0x5;
	[sflag:s20] =	ssyncadd.s32 $0xFFFFD900  }
0x61: {  	[hbm:s13], [sflag:s8] =	dma.local @!p0 [spmem:s21], $0x100  }
0x62: {  	_ =	swait.ge @!p0 [sflag:s7], $0x100  }
0x63: {  	[sflag:s7] =	ssyncset.done @!p0 $0x0  }
0x64: {  	[sflag:s7] =	ssyncadd.s32 @!p0 $0xFFFFFF00  }
0x65: {  	s9 =	simm.s32 $0x0;
	[bflag:$0x0] =	sbarrier.arrive $0xFFFF  }
0x66: {  	[tilespmem:s24], [sflag:$0x1] =	stream.indirect.gather [hbm4b:s5+s23], $0x80, s9, s23, $0xb8;
	[tilespmem:$0x1FCC0] =	vst v63  }
0x67: {  	_ = 	snop  }
0x68: {  	[tilespmem:s25], [sflag:$0x2] =	stream.indirect.gather [hbm4b:s5+s23], $0x80, s23, s23, $0xb8;
	[tilespmem:$0x1FCC0] =	vst v63  }
0x69: {  	_ =	swait.ge [sflag:s26], $0x3400  }
0x6a: {  	[sflag:s26] =	ssyncset.done $0x0  }
0x6b: {  	s10 =	simm.s32 $0x2800;
	[sflag:s26] =	ssyncadd.s32 $0xFFFFCC00  }
0x6c: {  	[spmem:s3] =	stream.indirect.scatter.add.f32 [tilespmem:s24], [sflag:$0x3], $0x80, s10, s23, $0xb8;
	[tilespmem:$0x1FCC0] =	vst v63  }
0x6d: {  	_ =	swait.ge [sflag:s28], $0x3400  }
0x6e: {  	[sflag:s28] =	ssyncset.done $0x0  }
0x6f: {  	s11 =	simm.s32 $0xD0;
	[sflag:s28] =	ssyncadd.s32 $0xFFFFCC00  }
0x70: {  	[tilespmem:s24], [sflag:$0x1] =	stream.indirect.gather [hbm4b:s5+s23], $0x80, s11, s23, $0xb8;
	[tilespmem:$0x1FCC0] =	vst v63  }
0x71: {  	_ =	swait.ge [sflag:s29], $0x3400  }
0x72: {  	[sflag:s29] =	ssyncset.done $0x0  }
0x73: {  	s22 =	simm.s32 $0x2880;
	[sflag:s29] =	ssyncadd.s32 $0xFFFFCC00  }
0x74: {  	[spmem:s3] =	stream.indirect.scatter.add.f32 [tilespmem:s25], [sflag:$0x4], $0x80, s22, s23, $0xb8;
	[tilespmem:$0x1FCC0] =	vst v63  }
0x75: {  	_ =	swait.ge [sflag:s30], $0x3400  }
0x76: {  	s7 =	simm.s32 $0x400;
	[sflag:s30] =	ssyncset.done $0x0  }
0x77: {  	s9 =	simm.s32 $0x208;
	s22 =	simm.s32 $0x138;
	[sflag:s30] =	ssyncadd.s32 $0xFFFFCC00  }
.LBB2_4:
0x78: {  	[tilespmem:s25], [sflag:$0x2] =	stream.indirect.gather [hbm4b:s5+s23], $0x80, s22, s23, $0xb8;
	[tilespmem:$0x1FCC0] =	vst v63  }
0x79: {  	s10 =	smov.u32 s7;
	s22 =	smov.u32 s9  }
0x7a: {  	p1 =	sne.s32 s7, $0xBC00;
	s7 =	sadd.s32 $0x400, s7;
	_ =	swait.ge [sflag:s26], $0x3400  }
0x7b: {  	s10 =	sshra.s32 s10, $0x2;
	[sflag:s26] =	ssyncset.done $0x0  }
0x7c: {  	s11 =	sadd.s32 $0x2800, s10;
	[sflag:s26] =	ssyncadd.s32 $0xFFFFCC00  }
0x7d: {  	[spmem:s3] =	stream.indirect.scatter.add.f32 [tilespmem:s24], [sflag:$0x3], $0x80, s11, s23, $0xb8;
	[tilespmem:$0x1FCC0] =	vst v63  }
0x7e: {  	_ =	swait.ge [sflag:s28], $0x3400  }
0x7f: {  	[sflag:s28] =	ssyncset.done $0x0  }
0x80: {  	s11 =	sadd.s32 $0xFFFFFF98, s9;
	[sflag:s28] =	ssyncadd.s32 $0xFFFFCC00  }
0x81: {  	[tilespmem:s24], [sflag:$0x1] =	stream.indirect.gather [hbm4b:s5+s23], $0x80, s11, s23, $0xb8;
	[tilespmem:$0x1FCC0] =	vst v63  }
0x82: {  	_ =	swait.ge [sflag:s29], $0x3400  }
0x83: {  	[sflag:s29] =	ssyncset.done $0x0  }
.Ltmp1:
0x84: {  	s10 =	sadd.s32 $0x2880, s10;
	[sflag:s29] =	ssyncadd.s32 $0xFFFFCC00;
	(pc) =	sbr.rel @p1 .LBB2_4-.Ltmp1, $4  }
0x85: {  	[spmem:s3] =	stream.indirect.scatter.add.f32 [tilespmem:s25], [sflag:$0x4], $0x80, s10, s23, $0xb8;
	[tilespmem:$0x1FCC0] =	vst v63  }
0x86: {  	_ =	swait.ge [sflag:s30], $0x3400  }
0x87: {  	[sflag:s30] =	ssyncset.done $0x0  }
0x88: {  	s9 =	sadd.s32 $0xD0, s9;
	[sflag:s30] =	ssyncadd.s32 $0xFFFFCC00  }
0x89: {  	[tilespmem:s25], [sflag:$0x2] =	stream.indirect.gather [hbm4b:s5+s23], $0x80, s22, s23, $0xb8;
	[tilespmem:$0x1FCC0] =	vst v63  }
0x8a: {  	_ =	swait.ge [sflag:s26], $0x3400  }
0x8b: {  	[sflag:s26] =	ssyncset.done $0x0  }
0x8c: {  	[sflag:s26] =	ssyncadd.s32 $0xFFFFCC00  }
0x8d: {  	[spmem:s3] =	stream.indirect.scatter.add.f32 [tilespmem:s24], [sflag:$0x3], $0x80, s31, s23, $0xb8;
	[tilespmem:$0x1FCC0] =	vst v63  }
0x8e: {  	_ =	swait.ge [sflag:s28], $0x3400  }
0x8f: {  	[sflag:s28] =	ssyncset.done $0x0  }
0x90: {  	[sflag:s28] =	ssyncadd.s32 $0xFFFFCC00  }
0x91: {  	_ =	swait.ge [sflag:s29], $0x3400  }
0x92: {  	[sflag:s29] =	ssyncset.done $0x0  }
0x93: {  	[sflag:s29] =	ssyncadd.s32 $0xFFFFCC00  }
0x94: {  	[spmem:s3] =	stream.indirect.scatter.add.f32 [tilespmem:s25], [sflag:$0x4], $0x80, s2, s23, $0xb8;
	[tilespmem:$0x1FCC0] =	vst v63  }
0x95: {  	_ =	swait.ge [sflag:s30], $0x3400  }
0x96: {  	[sflag:s30] =	ssyncset.done $0x0  }
0x97: {  	[sflag:s30] =	ssyncadd.s32 $0xFFFFCC00  }
0x98: {  	[bflag:$0x0] =	sbarrier.arrive $0xFFFF  }
0x99: {  	[hbm:s14], [sflag:s8] =	dma.local [spmem:s19], $0x2700  }
0x9a: {  	_ =	swait.ge [sflag:s20], $0x2700  }
0x9b: {  	[sflag:s20] =	ssyncset.done $0x0  }
0x9c: {  	s7 =	simm.s32 @!p0 $0x5;
	[sflag:s20] =	ssyncadd.s32 $0xFFFFD900  }
0x9d: {  	[hbm:s15], [sflag:s8] =	dma.local @!p0 [spmem:s21], $0x100  }
0x9e: {  	_ =	swait.ge @!p0 [sflag:s7], $0x100  }
0x9f: {  	[sflag:s7] =	ssyncset.done @!p0 $0x0  }
0xa0: {  	[sflag:s7] =	ssyncadd.s32 @!p0 $0xFFFFFF00  }
0xa1: {  	s9 =	simm.s32 $0x0;
	[bflag:$0x0] =	sbarrier.arrive $0xFFFF  }
0xa2: {  	[tilespmem:s24], [sflag:$0x1] =	stream.indirect.gather [hbm4b:s6+s23], $0x80, s9, s23, $0xb8;
	[tilespmem:$0x1FCC0] =	vst v63  }
0xa3: {  	_ = 	snop  }
0xa4: {  	[tilespmem:s25], [sflag:$0x2] =	stream.indirect.gather [hbm4b:s6+s23], $0x80, s23, s23, $0xb8;
	[tilespmem:$0x1FCC0] =	vst v63  }
0xa5: {  	_ =	swait.ge [sflag:s26], $0x3400  }
0xa6: {  	[sflag:s26] =	ssyncset.done $0x0  }
0xa7: {  	s10 =	simm.s32 $0x2800;
	[sflag:s26] =	ssyncadd.s32 $0xFFFFCC00  }
0xa8: {  	[spmem:s3] =	stream.indirect.scatter.add.f32 [tilespmem:s24], [sflag:$0x3], $0x80, s10, s23, $0xb8;
	[tilespmem:$0x1FCC0] =	vst v63  }
0xa9: {  	_ =	swait.ge [sflag:s28], $0x3400  }
0xaa: {  	[sflag:s28] =	ssyncset.done $0x0  }
0xab: {  	s11 =	simm.s32 $0xD0;
	[sflag:s28] =	ssyncadd.s32 $0xFFFFCC00  }
0xac: {  	[tilespmem:s24], [sflag:$0x1] =	stream.indirect.gather [hbm4b:s6+s23], $0x80, s11, s23, $0xb8;
	[tilespmem:$0x1FCC0] =	vst v63  }
0xad: {  	_ =	swait.ge [sflag:s29], $0x3400  }
0xae: {  	[sflag:s29] =	ssyncset.done $0x0  }
0xaf: {  	s22 =	simm.s32 $0x2880;
	[sflag:s29] =	ssyncadd.s32 $0xFFFFCC00  }
0xb0: {  	[spmem:s3] =	stream.indirect.scatter.add.f32 [tilespmem:s25], [sflag:$0x4], $0x80, s22, s23, $0xb8;
	[tilespmem:$0x1FCC0] =	vst v63  }
0xb1: {  	_ =	swait.ge [sflag:s30], $0x3400  }
0xb2: {  	s7 =	simm.s32 $0x400;
	[sflag:s30] =	ssyncset.done $0x0  }
0xb3: {  	s9 =	simm.s32 $0x208;
	s22 =	simm.s32 $0x138;
	[sflag:s30] =	ssyncadd.s32 $0xFFFFCC00  }
.LBB2_6:
0xb4: {  	[tilespmem:s25], [sflag:$0x2] =	stream.indirect.gather [hbm4b:s6+s23], $0x80, s22, s23, $0xb8;
	[tilespmem:$0x1FCC0] =	vst v63  }
0xb5: {  	s10 =	smov.u32 s7;
	s22 =	smov.u32 s9  }
0xb6: {  	p1 =	sne.s32 s7, $0xBC00;
	s7 =	sadd.s32 $0x400, s7;
	_ =	swait.ge [sflag:s26], $0x3400  }
0xb7: {  	s10 =	sshra.s32 s10, $0x2;
	[sflag:s26] =	ssyncset.done $0x0  }
0xb8: {  	s11 =	sadd.s32 $0x2800, s10;
	[sflag:s26] =	ssyncadd.s32 $0xFFFFCC00  }
0xb9: {  	[spmem:s3] =	stream.indirect.scatter.add.f32 [tilespmem:s24], [sflag:$0x3], $0x80, s11, s23, $0xb8;
	[tilespmem:$0x1FCC0] =	vst v63  }
0xba: {  	_ =	swait.ge [sflag:s28], $0x3400  }
0xbb: {  	[sflag:s28] =	ssyncset.done $0x0  }
0xbc: {  	s11 =	sadd.s32 $0xFFFFFF98, s9;
	[sflag:s28] =	ssyncadd.s32 $0xFFFFCC00  }
0xbd: {  	[tilespmem:s24], [sflag:$0x1] =	stream.indirect.gather [hbm4b:s6+s23], $0x80, s11, s23, $0xb8;
	[tilespmem:$0x1FCC0] =	vst v63  }
0xbe: {  	_ =	swait.ge [sflag:s29], $0x3400  }
0xbf: {  	[sflag:s29] =	ssyncset.done $0x0  }
.Ltmp2:
0xc0: {  	s10 =	sadd.s32 $0x2880, s10;
	[sflag:s29] =	ssyncadd.s32 $0xFFFFCC00;
	(pc) =	sbr.rel @p1 .LBB2_6-.Ltmp2, $4  }
0xc1: {  	[spmem:s3] =	stream.indirect.scatter.add.f32 [tilespmem:s25], [sflag:$0x4], $0x80, s10, s23, $0xb8;
	[tilespmem:$0x1FCC0] =	vst v63  }
0xc2: {  	_ =	swait.ge [sflag:s30], $0x3400  }
0xc3: {  	[sflag:s30] =	ssyncset.done $0x0  }
0xc4: {  	s9 =	sadd.s32 $0xD0, s9;
	[sflag:s30] =	ssyncadd.s32 $0xFFFFCC00  }
0xc5: {  	[tilespmem:s25], [sflag:$0x2] =	stream.indirect.gather [hbm4b:s6+s23], $0x80, s22, s23, $0xb8;
	[tilespmem:$0x1FCC0] =	vst v63  }
0xc6: {  	_ =	swait.ge [sflag:s26], $0x3400  }
0xc7: {  	[sflag:s26] =	ssyncset.done $0x0  }
0xc8: {  	[sflag:s26] =	ssyncadd.s32 $0xFFFFCC00  }
0xc9: {  	[spmem:s3] =	stream.indirect.scatter.add.f32 [tilespmem:s24], [sflag:$0x3], $0x80, s31, s23, $0xb8;
	[tilespmem:$0x1FCC0] =	vst v63  }
0xca: {  	_ =	swait.ge [sflag:s28], $0x3400  }
0xcb: {  	[sflag:s28] =	ssyncset.done $0x0  }
0xcc: {  	[sflag:s28] =	ssyncadd.s32 $0xFFFFCC00  }
0xcd: {  	_ =	swait.ge [sflag:s29], $0x3400  }
0xce: {  	[sflag:s29] =	ssyncset.done $0x0  }
0xcf: {  	[sflag:s29] =	ssyncadd.s32 $0xFFFFCC00  }
0xd0: {  	[spmem:s3] =	stream.indirect.scatter.add.f32 [tilespmem:s25], [sflag:$0x4], $0x80, s2, s23, $0xb8;
	[tilespmem:$0x1FCC0] =	vst v63  }
0xd1: {  	_ =	swait.ge [sflag:s30], $0x3400  }
0xd2: {  	[sflag:s30] =	ssyncset.done $0x0  }
0xd3: {  	[sflag:s30] =	ssyncadd.s32 $0xFFFFCC00  }
0xd4: {  	[bflag:$0x0] =	sbarrier.arrive $0xFFFF  }
0xd5: {  	[hbm:s16], [sflag:s8] =	dma.local [spmem:s19], $0x2700  }
0xd6: {  	s0 =	sadd.s32 $0x1, s0;
	_ =	swait.ge [sflag:s20], $0x2700  }
0xd7: {  	p1 =	sne.s32 s0, s18;
	[sflag:s20] =	ssyncset.done $0x0  }
.Ltmp3:
0xd8: {  	s7 =	simm.s32 @!p0 $0x5;
	[sflag:s20] =	ssyncadd.s32 $0xFFFFD900;
	(pc) =	sbr.rel @p1 .LBB2_1-.Ltmp3, $4  }
0xd9: {  	[hbm:s17], [sflag:s8] =	dma.local @!p0 [spmem:s21], $0x100  }
0xda: {  	_ =	swait.ge @!p0 [sflag:s7], $0x100  }
0xdb: {  	[sflag:s7] =	ssyncset.done @!p0 $0x0  }
0xdc: {  	[sflag:s7] =	ssyncadd.s32 @!p0 $0xFFFFFF00  }
0xdd: {  	_ =	sfence.sel $0x180000  }
0xde: {  	[bflag:$0x0] =	sbarrier.arrive $0xFFFF  }
0xdf: {  	_ =	strace $0x9000004A  }
0xe0: {  	s0 =	stileid.u32;
	[bflag:$0x2] =	sbarrier.arrive $0xFFFF  }
0xe1: {  	p0 =	sne.s32 s0, $0x0;
	s0 =	rddreg [dreg:$0x3]  }
0xe2: {  	s0 =	sadd.s32 @!p0 $0x100000, s0  }
0xe3: {  	[sflag:s0] =	ssyncadd.tile.s32 @!p0 $0x1;
	_ =	shalt  }
.Lfunc_end2:
_tile_overlayer_lowered:
.L_overlay_start_2:
0xe4: {  	(tag) =	ssettag $0x2  }
0xe5: {  	s0 =	rddreg [dreg:$0x0];
	s2 =	stileid.u32  }
0xe6: {  	s1 =	rddreg [dreg:$0x1];
	p0 =	sne.s32 s2, $0x0  }
0xe7: {  	s3 =	rddreg [dreg:$0x2];
	[bflag:$0x3] =	sbarrier.arrive $0xFFFF;
	s2 =	simm.s32 @!p0 $0x1C05  }
0xe8: {  	[timem:s3], [sflag:s2] =	dma.local @!p0 [hbm:s0], s1  }
0xe9: {  	s0 =	simm.s32 @!p0 $0x5  }
0xea: {  	_ =	swait.ge @!p0 [sflag:s0], s1  }
0xeb: {  	s1 =	ssub.s32 @!p0 $0x0, s1;
	[sflag:s0] =	ssyncset.done @!p0 $0x0  }
0xec: {  	[sflag:s0] =	ssyncadd.s32 @!p0 s1  }
0xed: {  	[bflag:$0x3] =	sbarrier.arrive $0xFFFF  }
0xee: {  	_ =	shalt  }

</sc_bundles>
